<compile_context>
chip_gen: v7x
topology: tpu7x:2x2x1
jax: 0.10.2.dev20260603
libtpu: 0.0.44.dev20260713+nightly
codegen_flags: <defaults>
</compile_context>

<pallas_src>
import dataclasses
import functools

import jax
import jax.numpy as jnp
from jax import lax
from jax.experimental import pallas as pl
from jax.experimental.pallas import tpu as pltpu
from jax.experimental.pallas import tpu_sc as plsc

_V = 8192
_D = 1024
_L = 16
_NW = 32
_RPW = _V // _NW
_C = 32
_NCH = _RPW // _C
_NB = 3

_mesh = plsc.VectorSubcoreMesh(core_axis_name="c", subcore_axis_name="s")

_cp = pltpu.CompilerParams()
if "needs_layout_passes" in pltpu.CompilerParams.__dataclass_fields__:
    _cp = dataclasses.replace(_cp, needs_layout_passes=False)


def _copy_loop(src_slices, dst_slices, bufs, gsems, ssems):
    n = len(src_slices)
    nb = len(bufs)
    gather_cp = [None] * nb
    store_cp = [None] * nb
    for c in range(min(nb - 1, n)):
        gather_cp[c] = pltpu.async_copy(src_slices[c], bufs[c], gsems[c])
    for c in range(n):
        cur = c % nb
        if c + nb - 1 < n:
            pre = (c + nb - 1) % nb
            if store_cp[pre] is not None:
                store_cp[pre].wait()
                store_cp[pre] = None
            gather_cp[pre] = pltpu.async_copy(
                src_slices[c + nb - 1], bufs[pre], gsems[pre])
        gather_cp[cur].wait()
        store_cp[cur] = pltpu.async_copy(bufs[cur], dst_slices[c], ssems[cur])
    for b in range(nb):
        if store_cp[b] is not None:
            store_cp[b].wait()


@functools.partial(
    pl.kernel,
    out_type=jax.ShapeDtypeStruct((_V, _D), jnp.float32),
    mesh=_mesh,
    compiler_params=_cp,
)
def _sc_embed(table, limit_hbm, out):
    def body(lim_v, idx_v, b0, b1, b2, g0, g1, g2, s0, s1, s2):
        wid = lax.axis_index("c") * 16 + lax.axis_index("s")
        base = wid * _RPW

        pltpu.sync_copy(limit_hbm, lim_v)
        limit = lim_v[...]
        limit_s = jax.lax.reduce_max(limit, (0,))

        bufs = (b0, b1, b2)
        gsems = (g0, g1, g2)
        ssems = (s0, s1, s2)
        dsts = [out.at[pl.ds(base + c * _C, _C)] for c in range(_NCH)]

        @pl.when(limit_s >= _V - 1)
        def _fast():
            srcs = [table.at[pl.ds(base + c * _C, _C)] for c in range(_NCH)]
            _copy_loop(srcs, dsts, bufs, gsems, ssems)

        @pl.when(limit_s < _V - 1)
        def _general():
            ramp = lax.iota(jnp.int32, _L)
            for c in range(_NCH):
                for j in range(_C // _L):
                    idx_v[c, pl.ds(j * _L, _L)] = jnp.minimum(
                        ramp + (base + c * _C + j * _L), limit)
            srcs = [table.at[idx_v.at[c]] for c in range(_NCH)]
            _copy_loop(srcs, dsts, bufs, gsems, ssems)

    pl.run_scoped(
        body,
        pltpu.VMEM((_L,), jnp.int32),
        pltpu.VMEM((_NCH, _C), jnp.int32),
        pltpu.VMEM((_C, _D), jnp.float32),
        pltpu.VMEM((_C, _D), jnp.float32),
        pltpu.VMEM((_C, _D), jnp.float32),
        pltpu.SemaphoreType.DMA,
        pltpu.SemaphoreType.DMA,
        pltpu.SemaphoreType.DMA,
        pltpu.SemaphoreType.DMA,
        pltpu.SemaphoreType.DMA,
        pltpu.SemaphoreType.DMA,
    )


def kernel(posit_embedding, seq_length):
    s = jnp.asarray(seq_length, jnp.int32)
    limit = jnp.clip(s - 1, 0, _V - 1)
    limit_vec = jnp.broadcast_to(limit, (_L,)).astype(jnp.int32)
    out = _sc_embed(posit_embedding, limit_vec)
    return out[None, :, :]

# --- scband reference (transcript-rebuilt; emitter-appended) ---
"""Pipeline reference for scband-positional-embed-21457656611217 (READ-ONLY COPY).

The authoritative reference and input builder live on the scoring server;
editing this copy changes nothing except your own understanding.
"""

import jax, jax.numpy as jnp
import numpy as np

MAX_SEQ_LENGTH = 8192
EMBEDDING_DIM = 1024


def setup_inputs(seed: int = 0) -> dict:
    key = jax.random.key(seed)
    posit_embedding = jax.random.normal(key, (MAX_SEQ_LENGTH, EMBEDDING_DIM), dtype=jnp.float32)
    return {"posit_embedding": posit_embedding, "seq_length": 8192}


def reference(posit_embedding, seq_length):
    # torch.arange(0, seq_length) -> gather rows from embedding table -> unsqueeze(0)
    idx = jnp.arange(0, posit_embedding.shape[0], dtype=jnp.int32)
    idx = jnp.minimum(idx, jnp.asarray(seq_length, dtype=jnp.int32) - 1)
    positional_embeddings = jnp.take(posit_embedding, idx, axis=0)
    return positional_embeddings[None, :, :]

if __name__ == "__main__":
    import jax
    _d = setup_inputs()
    print(jax.jit(kernel)(*tuple(_d.values())))

</pallas_src>

<mosaic_0001>
#map = affine_map<(d0, d1) -> (0, 0)>
#map1 = affine_map<(d0, d1) -> (0)>
module attributes {stable_mosaic.version = 14 : i64} {
  func.func @_sc_embed(%arg0: i32, %arg1: i32, %arg2: memref<8192x1024xf32, #tpu.memory_space<hbm>>, %arg3: memref<16xi32, #tpu.memory_space<hbm>>, %arg4: memref<8192x1024xf32, #tpu.memory_space<hbm>>) attributes {dimension_semantics = [#tpu.dimension_semantics<core_parallel>, #tpu.dimension_semantics<subcore_parallel>], iteration_bounds = array<i64: 2, 16>, scalar_prefetch = 0 : i64, scratch_operands = 0 : i64, tpu.core_type = #tpu.core_type<sc_vector_subcore>, window_params = [{transform_indices = #map}, {transform_indices = #map1}, {transform_indices = #map}]} {
    "tpu.region"() ({
      %run_scoped3A = memref.alloca() : memref<16xi32, #tpu.memory_space<vmem>>
      %run_scoped3A_0 = memref.alloca() : memref<8x32xi32, #tpu.memory_space<vmem>>
      %run_scoped3A_1 = memref.alloca() : memref<32x1024xf32, #tpu.memory_space<vmem>>
      %run_scoped3A_2 = memref.alloca() : memref<32x1024xf32, #tpu.memory_space<vmem>>
      %run_scoped3A_3 = memref.alloca() : memref<32x1024xf32, #tpu.memory_space<vmem>>
      %run_scoped3A_4 = tpu.sem_alloc : memref<!tpu.dma_semaphore, #tpu.memory_space<semaphore_mem>>
      %run_scoped3A_5 = tpu.sem_alloc : memref<!tpu.dma_semaphore, #tpu.memory_space<semaphore_mem>>
      %run_scoped3A_6 = tpu.sem_alloc : memref<!tpu.dma_semaphore, #tpu.memory_space<semaphore_mem>>
      %run_scoped3A_7 = tpu.sem_alloc : memref<!tpu.dma_semaphore, #tpu.memory_space<semaphore_mem>>
      %run_scoped3A_8 = tpu.sem_alloc : memref<!tpu.dma_semaphore, #tpu.memory_space<semaphore_mem>>
      %run_scoped3A_9 = tpu.sem_alloc : memref<!tpu.dma_semaphore, #tpu.memory_space<semaphore_mem>>
      %mul3A = arith.constant 16 : i32
      %mul3A_10 = arith.muli %arg0, %mul3A : i32
      %add3A = arith.addi %mul3A_10, %arg1 : i32
      %mul3A_11 = arith.constant 256 : i32
      %mul3A_12 = arith.muli %add3A, %mul3A_11 : i32
      "tpu.region"() ({
        %run_scoped3A_43 = tpu.sem_alloc : memref<!tpu.dma_semaphore, #tpu.memory_space<semaphore_mem>>
        tpu.enqueue_dma source(%arg3 : memref<16xi32, #tpu.memory_space<hbm>>) target(%run_scoped3A : memref<16xi32, #tpu.memory_space<vmem>>) target_semaphore(%run_scoped3A_43 : memref<!tpu.dma_semaphore, #tpu.memory_space<semaphore_mem>>)
        tpu.wait_dma2 semaphore(%run_scoped3A_43 : memref<!tpu.dma_semaphore, #tpu.memory_space<semaphore_mem>>) src(%arg3 : memref<16xi32, #tpu.memory_space<hbm>>) dst(%run_scoped3A : memref<16xi32, #tpu.memory_space<vmem>>)
        tpu.yield
      }) : () -> ()
      %get3A = arith.constant 0 : index
      %get3A_13 = tpu.vector_load %run_scoped3A[%get3A] {strides = array<i32>} : memref<16xi32, #tpu.memory_space<vmem>>, vector<16xi32>,
      %reduce_max3A = arith.constant true
      %reduce_max3A_14 = vector.broadcast %reduce_max3A : i1 to vector<16xi1>
      %reduce_max3A_15 = arith.constant -2147483648 : i32
      %reduce_max3A_16 = vector.broadcast %reduce_max3A_15 : i32 to vector<16xi32>
      %reduce_max3A_17 = arith.xori %get3A_13, %reduce_max3A_16 : vector<16xi32>
      %reduce_max3A_18 = tpu.scan <max>, %reduce_max3A_17 masked %reduce_max3A_14 : vector<16xi32>, vector<16xi1> -> vector<16xi32>
      %reduce_max3A_19 = arith.xori %reduce_max3A_18, %reduce_max3A_16 : vector<16xi32>
      %reduce_max3A_20 = vector.extract %reduce_max3A_19[15] : i32 from vector<16xi32>
      %add3A_21 = arith.constant 0 : i32
      %add3A_22 = arith.addi %mul3A_12, %add3A_21 : i32
      %add3A_23 = arith.constant 32 : i32
      %add3A_24 = arith.addi %mul3A_12, %add3A_23 : i32
      %add3A_25 = arith.constant 64 : i32
      %add3A_26 = arith.addi %mul3A_12, %add3A_25 : i32
      %add3A_27 = arith.constant 96 : i32
      %add3A_28 = arith.addi %mul3A_12, %add3A_27 : i32
      %add3A_29 = arith.constant 128 : i32
      %add3A_30 = arith.addi %mul3A_12, %add3A_29 : i32
      %add3A_31 = arith.constant 160 : i32
      %add3A_32 = arith.addi %mul3A_12, %add3A_31 : i32
      %add3A_33 = arith.constant 192 : i32
      %add3A_34 = arith.addi %mul3A_12, %add3A_33 : i32
      %add3A_35 = arith.constant 224 : i32
      %add3A_36 = arith.addi %mul3A_12, %add3A_35 : i32
      %ge3A = arith.constant 8191 : i32
      %ge3A_37 = arith.cmpi sge, %reduce_max3A_20, %ge3A : i32
      %convert_element_type3A = arith.extui %ge3A_37 : i1 to i32
      %cond3A = arith.constant 0 : i32
      %cond3A_38 = arith.cmpi ne, %convert_element_type3A, %cond3A : i32
      scf.if %cond3A_38 {
        %add3A_43 = arith.constant 0 : i32
        %add3A_44 = arith.addi %mul3A_12, %add3A_43 : i32
        %add3A_45 = arith.constant 32 : i32
        %add3A_46 = arith.addi %mul3A_12, %add3A_45 : i32
        %add3A_47 = arith.constant 64 : i32
        %add3A_48 = arith.addi %mul3A_12, %add3A_47 : i32
        %add3A_49 = arith.constant 96 : i32
        %add3A_50 = arith.addi %mul3A_12, %add3A_49 : i32
        %add3A_51 = arith.constant 128 : i32
        %add3A_52 = arith.addi %mul3A_12, %add3A_51 : i32
        %add3A_53 = arith.constant 160 : i32
        %add3A_54 = arith.addi %mul3A_12, %add3A_53 : i32
        %add3A_55 = arith.constant 192 : i32
        %add3A_56 = arith.addi %mul3A_12, %add3A_55 : i32
        %add3A_57 = arith.constant 224 : i32
        %add3A_58 = arith.addi %mul3A_12, %add3A_57 : i32
        %dma_start3A = arith.constant 0 : i32
        %dma_start3A_59 = tpu.memref_slice %arg2[%add3A_44, %dma_start3A] : memref<8192x1024xf32, #tpu.memory_space<hbm>> -> memref<32x1024xf32, #tpu.memory_space<hbm>>
        %dma_start3A_60 = arith.constant 0 : i32
        %dma_start3A_61 = tpu.memref_slice %arg2[%add3A_44, %dma_start3A_60] : memref<8192x1024xf32, #tpu.memory_space<hbm>> -> memref<32x1024xf32, #tpu.memory_space<hbm>>
        tpu.enqueue_dma source(%dma_start3A_61 : memref<32x1024xf32, #tpu.memory_space<hbm>>) target(%run_scoped3A_1 : memref<32x1024xf32, #tpu.memory_space<vmem>>) target_semaphore(%run_scoped3A_4 : memref<!tpu.dma_semaphore, #tpu.memory_space<semaphore_mem>>)
        %dma_start3A_62 = arith.constant 0 : i32
        %dma_start3A_63 = tpu.memref_slice %arg2[%add3A_46, %dma_start3A_62] : memref<8192x1024xf32, #tpu.memory_space<hbm>> -> memref<32x1024xf32, #tpu.memory_space<hbm>>
        %dma_start3A_64 = arith.constant 0 : i32
        %dma_start3A_65 = tpu.memref_slice %arg2[%add3A_46, %dma_start3A_64] : memref<8192x1024xf32, #tpu.memory_space<hbm>> -> memref<32x1024xf32, #tpu.memory_space<hbm>>
        tpu.enqueue_dma source(%dma_start3A_65 : memref<32x1024xf32, #tpu.memory_space<hbm>>) target(%run_scoped3A_2 : memref<32x1024xf32, #tpu.memory_space<vmem>>) target_semaphore(%run_scoped3A_5 : memref<!tpu.dma_semaphore, #tpu.memory_space<semaphore_mem>>)
        %dma_start3A_66 = arith.constant 0 : i32
        %dma_start3A_67 = tpu.memref_slice %arg2[%add3A_48, %dma_start3A_66] : memref<8192x1024xf32, #tpu.memory_space<hbm>> -> memref<32x1024xf32, #tpu.memory_space<hbm>>
        %dma_start3A_68 = arith.constant 0 : i32
        %dma_start3A_69 = tpu.memref_slice %arg2[%add3A_48, %dma_start3A_68] : memref<8192x1024xf32, #tpu.memory_space<hbm>> -> memref<32x1024xf32, #tpu.memory_space<hbm>>
        tpu.enqueue_dma source(%dma_start3A_69 : memref<32x1024xf32, #tpu.memory_space<hbm>>) target(%run_scoped3A_3 : memref<32x1024xf32, #tpu.memory_space<vmem>>) target_semaphore(%run_scoped3A_6 : memref<!tpu.dma_semaphore, #tpu.memory_space<semaphore_mem>>)
        %dma_wait3A = arith.constant 0 : i32
        %dma_wait3A_70 = tpu.memref_slice %arg2[%add3A_44, %dma_wait3A] : memref<8192x1024xf32, #tpu.memory_space<hbm>> -> memref<32x1024xf32, #tpu.memory_space<hbm>>
        %dma_wait3A_71 = arith.constant 0 : i32
        %dma_wait3A_72 = tpu.memref_slice %arg2[%add3A_44, %dma_wait3A_71] : memref<8192x1024xf32, #tpu.memory_space<hbm>> -> memref<32x1024xf32, #tpu.memory_space<hbm>>
        tpu.wait_dma2 semaphore(%run_scoped3A_4 : memref<!tpu.dma_semaphore, #tpu.memory_space<semaphore_mem>>) src(%dma_wait3A_72 : memref<32x1024xf32, #tpu.memory_space<hbm>>) dst(%run_scoped3A_1 : memref<32x1024xf32, #tpu.memory_space<vmem>>)
        %dma_start3A_73 = arith.constant 0 : i32
        %dma_start3A_74 = tpu.memref_slice %arg4[%add3A_22, %dma_start3A_73] : memref<8192x1024xf32, #tpu.memory_space<hbm>> -> memref<32x1024xf32, #tpu.memory_space<hbm>>
        %dma_start3A_75 = arith.constant 0 : i32
        %dma_start3A_76 = tpu.memref_slice %arg4[%add3A_22, %dma_start3A_75] : memref<8192x1024xf32, #tpu.memory_space<hbm>> -> memref<32x1024xf32, #tpu.memory_space<hbm>>
        tpu.enqueue_dma source(%run_scoped3A_1 : memref<32x1024xf32, #tpu.memory_space<vmem>>) target(%dma_start3A_76 : memref<32x1024xf32, #tpu.memory_space<hbm>>) target_semaphore(%run_scoped3A_7 : memref<!tpu.dma_semaphore, #tpu.memory_space<semaphore_mem>>)
        %dma_wait3A_77 = arith.constant 0 : i32
        %dma_wait3A_78 = tpu.memref_slice %arg4[%add3A_22, %dma_wait3A_77] : memref<8192x1024xf32, #tpu.memory_space<hbm>> -> memref<32x1024xf32, #tpu.memory_space<hbm>>
        %dma_wait3A_79 = arith.constant 0 : i32
        %dma_wait3A_80 = tpu.memref_slice %arg4[%add3A_22, %dma_wait3A_79] : memref<8192x1024xf32, #tpu.memory_space<hbm>> -> memref<32x1024xf32, #tpu.memory_space<hbm>>
        tpu.wait_dma2 semaphore(%run_scoped3A_7 : memref<!tpu.dma_semaphore, #tpu.memory_space<semaphore_mem>>) src(%run_scoped3A_1 : memref<32x1024xf32, #tpu.memory_space<vmem>>) dst(%dma_wait3A_80 : memref<32x1024xf32, #tpu.memory_space<hbm>>)
        %dma_start3A_81 = arith.constant 0 : i32
        %dma_start3A_82 = tpu.memref_slice %arg2[%add3A_50, %dma_start3A_81] : memref<8192x1024xf32, #tpu.memory_space<hbm>> -> memref<32x1024xf32, #tpu.memory_space<hbm>>
        %dma_start3A_83 = arith.constant 0 : i32
        %dma_start3A_84 = tpu.memref_slice %arg2[%add3A_50, %dma_start3A_83] : memref<8192x1024xf32, #tpu.memory_space<hbm>> -> memref<32x1024xf32, #tpu.memory_space<hbm>>
        tpu.enqueue_dma source(%dma_start3A_84 : memref<32x1024xf32, #tpu.memory_space<hbm>>) target(%run_scoped3A_1 : memref<32x1024xf32, #tpu.memory_space<vmem>>) target_semaphore(%run_scoped3A_4 : memref<!tpu.dma_semaphore, #tpu.memory_space<semaphore_mem>>)
        %dma_wait3A_85 = arith.constant 0 : i32
        %dma_wait3A_86 = tpu.memref_slice %arg2[%add3A_46, %dma_wait3A_85] : memref<8192x1024xf32, #tpu.memory_space<hbm>> -> memref<32x1024xf32, #tpu.memory_space<hbm>>
        %dma_wait3A_87 = arith.constant 0 : i32
        %dma_wait3A_88 = tpu.memref_slice %arg2[%add3A_46, %dma_wait3A_87] : memref<8192x1024xf32, #tpu.memory_space<hbm>> -> memref<32x1024xf32, #tpu.memory_space<hbm>>
        tpu.wait_dma2 semaphore(%run_scoped3A_5 : memref<!tpu.dma_semaphore, #tpu.memory_space<semaphore_mem>>) src(%dma_wait3A_88 : memref<32x1024xf32, #tpu.memory_space<hbm>>) dst(%run_scoped3A_2 : memref<32x1024xf32, #tpu.memory_space<vmem>>)
        %dma_start3A_89 = arith.constant 0 : i32
        %dma_start3A_90 = tpu.memref_slice %arg4[%add3A_24, %dma_start3A_89] : memref<8192x1024xf32, #tpu.memory_space<hbm>> -> memref<32x1024xf32, #tpu.memory_space<hbm>>
        %dma_start3A_91 = arith.constant 0 : i32
        %dma_start3A_92 = tpu.memref_slice %arg4[%add3A_24, %dma_start3A_91] : memref<8192x1024xf32, #tpu.memory_space<hbm>> -> memref<32x1024xf32, #tpu.memory_space<hbm>>
        tpu.enqueue_dma source(%run_scoped3A_2 : memref<32x1024xf32, #tpu.memory_space<vmem>>) target(%dma_start3A_92 : memref<32x1024xf32, #tpu.memory_space<hbm>>) target_semaphore(%run_scoped3A_8 : memref<!tpu.dma_semaphore, #tpu.memory_space<semaphore_mem>>)
        %dma_wait3A_93 = arith.constant 0 : i32
        %dma_wait3A_94 = tpu.memref_slice %arg4[%add3A_24, %dma_wait3A_93] : memref<8192x1024xf32, #tpu.memory_space<hbm>> -> memref<32x1024xf32, #tpu.memory_space<hbm>>
        %dma_wait3A_95 = arith.constant 0 : i32
        %dma_wait3A_96 = tpu.memref_slice %arg4[%add3A_24, %dma_wait3A_95] : memref<8192x1024xf32, #tpu.memory_space<hbm>> -> memref<32x1024xf32, #tpu.memory_space<hbm>>
        tpu.wait_dma2 semaphore(%run_scoped3A_8 : memref<!tpu.dma_semaphore, #tpu.memory_space<semaphore_mem>>) src(%run_scoped3A_2 : memref<32x1024xf32, #tpu.memory_space<vmem>>) dst(%dma_wait3A_96 : memref<32x1024xf32, #tpu.memory_space<hbm>>)
        %dma_start3A_97 = arith.constant 0 : i32
        %dma_start3A_98 = tpu.memref_slice %arg2[%add3A_52, %dma_start3A_97] : memref<8192x1024xf32, #tpu.memory_space<hbm>> -> memref<32x1024xf32, #tpu.memory_space<hbm>>
        %dma_start3A_99 = arith.constant 0 : i32
        %dma_start3A_100 = tpu.memref_slice %arg2[%add3A_52, %dma_start3A_99] : memref<8192x1024xf32, #tpu.memory_space<hbm>> -> memref<32x1024xf32, #tpu.memory_space<hbm>>
        tpu.enqueue_dma source(%dma_start3A_100 : memref<32x1024xf32, #tpu.memory_space<hbm>>) target(%run_scoped3A_2 : memref<32x1024xf32, #tpu.memory_space<vmem>>) target_semaphore(%run_scoped3A_5 : memref<!tpu.dma_semaphore, #tpu.memory_space<semaphore_mem>>)
        %dma_wait3A_101 = arith.constant 0 : i32
        %dma_wait3A_102 = tpu.memref_slice %arg2[%add3A_48, %dma_wait3A_101] : memref<8192x1024xf32, #tpu.memory_space<hbm>> -> memref<32x1024xf32, #tpu.memory_space<hbm>>
        %dma_wait3A_103 = arith.constant 0 : i32
        %dma_wait3A_104 = tpu.memref_slice %arg2[%add3A_48, %dma_wait3A_103] : memref<8192x1024xf32, #tpu.memory_space<hbm>> -> memref<32x1024xf32, #tpu.memory_space<hbm>>
        tpu.wait_dma2 semaphore(%run_scoped3A_6 : memref<!tpu.dma_semaphore, #tpu.memory_space<semaphore_mem>>) src(%dma_wait3A_104 : memref<32x1024xf32, #tpu.memory_space<hbm>>) dst(%run_scoped3A_3 : memref<32x1024xf32, #tpu.memory_space<vmem>>)
        %dma_start3A_105 = arith.constant 0 : i32
        %dma_start3A_106 = tpu.memref_slice %arg4[%add3A_26, %dma_start3A_105] : memref<8192x1024xf32, #tpu.memory_space<hbm>> -> memref<32x1024xf32, #tpu.memory_space<hbm>>
        %dma_start3A_107 = arith.constant 0 : i32
        %dma_start3A_108 = tpu.memref_slice %arg4[%add3A_26, %dma_start3A_107] : memref<8192x1024xf32, #tpu.memory_space<hbm>> -> memref<32x1024xf32, #tpu.memory_space<hbm>>
        tpu.enqueue_dma source(%run_scoped3A_3 : memref<32x1024xf32, #tpu.memory_space<vmem>>) target(%dma_start3A_108 : memref<32x1024xf32, #tpu.memory_space<hbm>>) target_semaphore(%run_scoped3A_9 : memref<!tpu.dma_semaphore, #tpu.memory_space<semaphore_mem>>)
        %dma_wait3A_109 = arith.constant 0 : i32
        %dma_wait3A_110 = tpu.memref_slice %arg4[%add3A_26, %dma_wait3A_109] : memref<8192x1024xf32, #tpu.memory_space<hbm>> -> memref<32x1024xf32, #tpu.memory_space<hbm>>
        %dma_wait3A_111 = arith.constant 0 : i32
        %dma_wait3A_112 = tpu.memref_slice %arg4[%add3A_26, %dma_wait3A_111] : memref<8192x1024xf32, #tpu.memory_space<hbm>> -> memref<32x1024xf32, #tpu.memory_space<hbm>>
        tpu.wait_dma2 semaphore(%run_scoped3A_9 : memref<!tpu.dma_semaphore, #tpu.memory_space<semaphore_mem>>) src(%run_scoped3A_3 : memref<32x1024xf32, #tpu.memory_space<vmem>>) dst(%dma_wait3A_112 : memref<32x1024xf32, #tpu.memory_space<hbm>>)
        %dma_start3A_113 = arith.constant 0 : i32
        %dma_start3A_114 = tpu.memref_slice %arg2[%add3A_54, %dma_start3A_113] : memref<8192x1024xf32, #tpu.memory_space<hbm>> -> memref<32x1024xf32, #tpu.memory_space<hbm>>
        %dma_start3A_115 = arith.constant 0 : i32
        %dma_start3A_116 = tpu.memref_slice %arg2[%add3A_54, %dma_start3A_115] : memref<8192x1024xf32, #tpu.memory_space<hbm>> -> memref<32x1024xf32, #tpu.memory_space<hbm>>
        tpu.enqueue_dma source(%dma_start3A_116 : memref<32x1024xf32, #tpu.memory_space<hbm>>) target(%run_scoped3A_3 : memref<32x1024xf32, #tpu.memory_space<vmem>>) target_semaphore(%run_scoped3A_6 : memref<!tpu.dma_semaphore, #tpu.memory_space<semaphore_mem>>)
        %dma_wait3A_117 = arith.constant 0 : i32
        %dma_wait3A_118 = tpu.memref_slice %arg2[%add3A_50, %dma_wait3A_117] : memref<8192x1024xf32, #tpu.memory_space<hbm>> -> memref<32x1024xf32, #tpu.memory_space<hbm>>
        %dma_wait3A_119 = arith.constant 0 : i32
        %dma_wait3A_120 = tpu.memref_slice %arg2[%add3A_50, %dma_wait3A_119] : memref<8192x1024xf32, #tpu.memory_space<hbm>> -> memref<32x1024xf32, #tpu.memory_space<hbm>>
        tpu.wait_dma2 semaphore(%run_scoped3A_4 : memref<!tpu.dma_semaphore, #tpu.memory_space<semaphore_mem>>) src(%dma_wait3A_120 : memref<32x1024xf32, #tpu.memory_space<hbm>>) dst(%run_scoped3A_1 : memref<32x1024xf32, #tpu.memory_space<vmem>>)
        %dma_start3A_121 = arith.constant 0 : i32
        %dma_start3A_122 = tpu.memref_slice %arg4[%add3A_28, %dma_start3A_121] : memref<8192x1024xf32, #tpu.memory_space<hbm>> -> memref<32x1024xf32, #tpu.memory_space<hbm>>
        %dma_start3A_123 = arith.constant 0 : i32
        %dma_start3A_124 = tpu.memref_slice %arg4[%add3A_28, %dma_start3A_123] : memref<8192x1024xf32, #tpu.memory_space<hbm>> -> memref<32x1024xf32, #tpu.memory_space<hbm>>
        tpu.enqueue_dma source(%run_scoped3A_1 : memref<32x1024xf32, #tpu.memory_space<vmem>>) target(%dma_start3A_124 : memref<32x1024xf32, #tpu.memory_space<hbm>>) target_semaphore(%run_scoped3A_7 : memref<!tpu.dma_semaphore, #tpu.memory_space<semaphore_mem>>)
        %dma_wait3A_125 = arith.constant 0 : i32
        %dma_wait3A_126 = tpu.memref_slice %arg4[%add3A_28, %dma_wait3A_125] : memref<8192x1024xf32, #tpu.memory_space<hbm>> -> memref<32x1024xf32, #tpu.memory_space<hbm>>
        %dma_wait3A_127 = arith.constant 0 : i32
        %dma_wait3A_128 = tpu.memref_slice %arg4[%add3A_28, %dma_wait3A_127] : memref<8192x1024xf32, #tpu.memory_space<hbm>> -> memref<32x1024xf32, #tpu.memory_space<hbm>>
        tpu.wait_dma2 semaphore(%run_scoped3A_7 : memref<!tpu.dma_semaphore, #tpu.memory_space<semaphore_mem>>) src(%run_scoped3A_1 : memref<32x1024xf32, #tpu.memory_space<vmem>>) dst(%dma_wait3A_128 : memref<32x1024xf32, #tpu.memory_space<hbm>>)
        %dma_start3A_129 = arith.constant 0 : i32
        %dma_start3A_130 = tpu.memref_slice %arg2[%add3A_56, %dma_start3A_129] : memref<8192x1024xf32, #tpu.memory_space<hbm>> -> memref<32x1024xf32, #tpu.memory_space<hbm>>
        %dma_start3A_131 = arith.constant 0 : i32
        %dma_start3A_132 = tpu.memref_slice %arg2[%add3A_56, %dma_start3A_131] : memref<8192x1024xf32, #tpu.memory_space<hbm>> -> memref<32x1024xf32, #tpu.memory_space<hbm>>
        tpu.enqueue_dma source(%dma_start3A_132 : memref<32x1024xf32, #tpu.memory_space<hbm>>) target(%run_scoped3A_1 : memref<32x1024xf32, #tpu.memory_space<vmem>>) target_semaphore(%run_scoped3A_4 : memref<!tpu.dma_semaphore, #tpu.memory_space<semaphore_mem>>)
        %dma_wait3A_133 = arith.constant 0 : i32
        %dma_wait3A_134 = tpu.memref_slice %arg2[%add3A_52, %dma_wait3A_133] : memref<8192x1024xf32, #tpu.memory_space<hbm>> -> memref<32x1024xf32, #tpu.memory_space<hbm>>
        %dma_wait3A_135 = arith.constant 0 : i32
        %dma_wait3A_136 = tpu.memref_slice %arg2[%add3A_52, %dma_wait3A_135] : memref<8192x1024xf32, #tpu.memory_space<hbm>> -> memref<32x1024xf32, #tpu.memory_space<hbm>>
        tpu.wait_dma2 semaphore(%run_scoped3A_5 : memref<!tpu.dma_semaphore, #tpu.memory_space<semaphore_mem>>) src(%dma_wait3A_136 : memref<32x1024xf32, #tpu.memory_space<hbm>>) dst(%run_scoped3A_2 : memref<32x1024xf32, #tpu.memory_space<vmem>>)
        %dma_start3A_137 = arith.constant 0 : i32
        %dma_start3A_138 = tpu.memref_slice %arg4[%add3A_30, %dma_start3A_137] : memref<8192x1024xf32, #tpu.memory_space<hbm>> -> memref<32x1024xf32, #tpu.memory_space<hbm>>
        %dma_start3A_139 = arith.constant 0 : i32
        %dma_start3A_140 = tpu.memref_slice %arg4[%add3A_30, %dma_start3A_139] : memref<8192x1024xf32, #tpu.memory_space<hbm>> -> memref<32x1024xf32, #tpu.memory_space<hbm>>
        tpu.enqueue_dma source(%run_scoped3A_2 : memref<32x1024xf32, #tpu.memory_space<vmem>>) target(%dma_start3A_140 : memref<32x1024xf32, #tpu.memory_space<hbm>>) target_semaphore(%run_scoped3A_8 : memref<!tpu.dma_semaphore, #tpu.memory_space<semaphore_mem>>)
        %dma_wait3A_141 = arith.constant 0 : i32
        %dma_wait3A_142 = tpu.memref_slice %arg4[%add3A_30, %dma_wait3A_141] : memref<8192x1024xf32, #tpu.memory_space<hbm>> -> memref<32x1024xf32, #tpu.memory_space<hbm>>
        %dma_wait3A_143 = arith.constant 0 : i32
        %dma_wait3A_144 = tpu.memref_slice %arg4[%add3A_30, %dma_wait3A_143] : memref<8192x1024xf32, #tpu.memory_space<hbm>> -> memref<32x1024xf32, #tpu.memory_space<hbm>>
        tpu.wait_dma2 semaphore(%run_scoped3A_8 : memref<!tpu.dma_semaphore, #tpu.memory_space<semaphore_mem>>) src(%run_scoped3A_2 : memref<32x1024xf32, #tpu.memory_space<vmem>>) dst(%dma_wait3A_144 : memref<32x1024xf32, #tpu.memory_space<hbm>>)
        %dma_start3A_145 = arith.constant 0 : i32
        %dma_start3A_146 = tpu.memref_slice %arg2[%add3A_58, %dma_start3A_145] : memref<8192x1024xf32, #tpu.memory_space<hbm>> -> memref<32x1024xf32, #tpu.memory_space<hbm>>
        %dma_start3A_147 = arith.constant 0 : i32
        %dma_start3A_148 = tpu.memref_slice %arg2[%add3A_58, %dma_start3A_147] : memref<8192x1024xf32, #tpu.memory_space<hbm>> -> memref<32x1024xf32, #tpu.memory_space<hbm>>
        tpu.enqueue_dma source(%dma_start3A_148 : memref<32x1024xf32, #tpu.memory_space<hbm>>) target(%run_scoped3A_2 : memref<32x1024xf32, #tpu.memory_space<vmem>>) target_semaphore(%run_scoped3A_5 : memref<!tpu.dma_semaphore, #tpu.memory_space<semaphore_mem>>)
        %dma_wait3A_149 = arith.constant 0 : i32
        %dma_wait3A_150 = tpu.memref_slice %arg2[%add3A_54, %dma_wait3A_149] : memref<8192x1024xf32, #tpu.memory_space<hbm>> -> memref<32x1024xf32, #tpu.memory_space<hbm>>
        %dma_wait3A_151 = arith.constant 0 : i32
        %dma_wait3A_152 = tpu.memref_slice %arg2[%add3A_54, %dma_wait3A_151] : memref<8192x1024xf32, #tpu.memory_space<hbm>> -> memref<32x1024xf32, #tpu.memory_space<hbm>>
        tpu.wait_dma2 semaphore(%run_scoped3A_6 : memref<!tpu.dma_semaphore, #tpu.memory_space<semaphore_mem>>) src(%dma_wait3A_152 : memref<32x1024xf32, #tpu.memory_space<hbm>>) dst(%run_scoped3A_3 : memref<32x1024xf32, #tpu.memory_space<vmem>>)
        %dma_start3A_153 = arith.constant 0 : i32
        %dma_start3A_154 = tpu.memref_slice %arg4[%add3A_32, %dma_start3A_153] : memref<8192x1024xf32, #tpu.memory_space<hbm>> -> memref<32x1024xf32, #tpu.memory_space<hbm>>
        %dma_start3A_155 = arith.constant 0 : i32
        %dma_start3A_156 = tpu.memref_slice %arg4[%add3A_32, %dma_start3A_155] : memref<8192x1024xf32, #tpu.memory_space<hbm>> -> memref<32x1024xf32, #tpu.memory_space<hbm>>
        tpu.enqueue_dma source(%run_scoped3A_3 : memref<32x1024xf32, #tpu.memory_space<vmem>>) target(%dma_start3A_156 : memref<32x1024xf32, #tpu.memory_space<hbm>>) target_semaphore(%run_scoped3A_9 : memref<!tpu.dma_semaphore, #tpu.memory_space<semaphore_mem>>)
        %dma_wait3A_157 = arith.constant 0 : i32
        %dma_wait3A_158 = tpu.memref_slice %arg2[%add3A_56, %dma_wait3A_157] : memref<8192x1024xf32, #tpu.memory_space<hbm>> -> memref<32x1024xf32, #tpu.memory_space<hbm>>
        %dma_wait3A_159 = arith.constant 0 : i32
        %dma_wait3A_160 = tpu.memref_slice %arg2[%add3A_56, %dma_wait3A_159] : memref<8192x1024xf32, #tpu.memory_space<hbm>> -> memref<32x1024xf32, #tpu.memory_space<hbm>>
        tpu.wait_dma2 semaphore(%run_scoped3A_4 : memref<!tpu.dma_semaphore, #tpu.memory_space<semaphore_mem>>) src(%dma_wait3A_160 : memref<32x1024xf32, #tpu.memory_space<hbm>>) dst(%run_scoped3A_1 : memref<32x1024xf32, #tpu.memory_space<vmem>>)
        %dma_start3A_161 = arith.constant 0 : i32
        %dma_start3A_162 = tpu.memref_slice %arg4[%add3A_34, %dma_start3A_161] : memref<8192x1024xf32, #tpu.memory_space<hbm>> -> memref<32x1024xf32, #tpu.memory_space<hbm>>
        %dma_start3A_163 = arith.constant 0 : i32
        %dma_start3A_164 = tpu.memref_slice %arg4[%add3A_34, %dma_start3A_163] : memref<8192x1024xf32, #tpu.memory_space<hbm>> -> memref<32x1024xf32, #tpu.memory_space<hbm>>
        tpu.enqueue_dma source(%run_scoped3A_1 : memref<32x1024xf32, #tpu.memory_space<vmem>>) target(%dma_start3A_164 : memref<32x1024xf32, #tpu.memory_space<hbm>>) target_semaphore(%run_scoped3A_7 : memref<!tpu.dma_semaphore, #tpu.memory_space<semaphore_mem>>)
        %dma_wait3A_165 = arith.constant 0 : i32
        %dma_wait3A_166 = tpu.memref_slice %arg2[%add3A_58, %dma_wait3A_165] : memref<8192x1024xf32, #tpu.memory_space<hbm>> -> memref<32x1024xf32, #tpu.memory_space<hbm>>
        %dma_wait3A_167 = arith.constant 0 : i32
        %dma_wait3A_168 = tpu.memref_slice %arg2[%add3A_58, %dma_wait3A_167] : memref<8192x1024xf32, #tpu.memory_space<hbm>> -> memref<32x1024xf32, #tpu.memory_space<hbm>>
        tpu.wait_dma2 semaphore(%run_scoped3A_5 : memref<!tpu.dma_semaphore, #tpu.memory_space<semaphore_mem>>) src(%dma_wait3A_168 : memref<32x1024xf32, #tpu.memory_space<hbm>>) dst(%run_scoped3A_2 : memref<32x1024xf32, #tpu.memory_space<vmem>>)
        %dma_start3A_169 = arith.constant 0 : i32
        %dma_start3A_170 = tpu.memref_slice %arg4[%add3A_36, %dma_start3A_169] : memref<8192x1024xf32, #tpu.memory_space<hbm>> -> memref<32x1024xf32, #tpu.memory_space<hbm>>
        %dma_start3A_171 = arith.constant 0 : i32
        %dma_start3A_172 = tpu.memref_slice %arg4[%add3A_36, %dma_start3A_171] : memref<8192x1024xf32, #tpu.memory_space<hbm>> -> memref<32x1024xf32, #tpu.memory_space<hbm>>
        tpu.enqueue_dma source(%run_scoped3A_2 : memref<32x1024xf32, #tpu.memory_space<vmem>>) target(%dma_start3A_172 : memref<32x1024xf32, #tpu.memory_space<hbm>>) target_semaphore(%run_scoped3A_8 : memref<!tpu.dma_semaphore, #tpu.memory_space<semaphore_mem>>)
        %dma_wait3A_173 = arith.constant 0 : i32
        %dma_wait3A_174 = tpu.memref_slice %arg4[%add3A_34, %dma_wait3A_173] : memref<8192x1024xf32, #tpu.memory_space<hbm>> -> memref<32x1024xf32, #tpu.memory_space<hbm>>
        %dma_wait3A_175 = arith.constant 0 : i32
        %dma_wait3A_176 = tpu.memref_slice %arg4[%add3A_34, %dma_wait3A_175] : memref<8192x1024xf32, #tpu.memory_space<hbm>> -> memref<32x1024xf32, #tpu.memory_space<hbm>>
        tpu.wait_dma2 semaphore(%run_scoped3A_7 : memref<!tpu.dma_semaphore, #tpu.memory_space<semaphore_mem>>) src(%run_scoped3A_1 : memref<32x1024xf32, #tpu.memory_space<vmem>>) dst(%dma_wait3A_176 : memref<32x1024xf32, #tpu.memory_space<hbm>>)
        %dma_wait3A_177 = arith.constant 0 : i32
        %dma_wait3A_178 = tpu.memref_slice %arg4[%add3A_36, %dma_wait3A_177] : memref<8192x1024xf32, #tpu.memory_space<hbm>> -> memref<32x1024xf32, #tpu.memory_space<hbm>>
        %dma_wait3A_179 = arith.constant 0 : i32
        %dma_wait3A_180 = tpu.memref_slice %arg4[%add3A_36, %dma_wait3A_179] : memref<8192x1024xf32, #tpu.memory_space<hbm>> -> memref<32x1024xf32, #tpu.memory_space<hbm>>
        tpu.wait_dma2 semaphore(%run_scoped3A_8 : memref<!tpu.dma_semaphore, #tpu.memory_space<semaphore_mem>>) src(%run_scoped3A_2 : memref<32x1024xf32, #tpu.memory_space<vmem>>) dst(%dma_wait3A_180 : memref<32x1024xf32, #tpu.memory_space<hbm>>)
        %dma_wait3A_181 = arith.constant 0 : i32
        %dma_wait3A_182 = tpu.memref_slice %arg4[%add3A_32, %dma_wait3A_181] : memref<8192x1024xf32, #tpu.memory_space<hbm>> -> memref<32x1024xf32, #tpu.memory_space<hbm>>
        %dma_wait3A_183 = arith.constant 0 : i32
        %dma_wait3A_184 = tpu.memref_slice %arg4[%add3A_32, %dma_wait3A_183] : memref<8192x1024xf32, #tpu.memory_space<hbm>> -> memref<32x1024xf32, #tpu.memory_space<hbm>>
        tpu.wait_dma2 semaphore(%run_scoped3A_9 : memref<!tpu.dma_semaphore, #tpu.memory_space<semaphore_mem>>) src(%run_scoped3A_3 : memref<32x1024xf32, #tpu.memory_space<vmem>>) dst(%dma_wait3A_184 : memref<32x1024xf32, #tpu.memory_space<hbm>>)
      } else {
      }
      %lt3A = arith.constant 8191 : i32
      %lt3A_39 = arith.cmpi slt, %reduce_max3A_20, %lt3A : i32
      %convert_element_type3A_40 = arith.extui %lt3A_39 : i1 to i32
      %cond3A_41 = arith.constant 0 : i32
      %cond3A_42 = arith.cmpi ne, %convert_element_type3A_40, %cond3A_41 : i32
      scf.if %cond3A_42 {
        %iota3A = tpu.iota {dimensions = array<i32: 0>} : vector<16xi32>
        %add3A_43 = arith.constant 0 : i32
        %add3A_44 = arith.addi %mul3A_12, %add3A_43 : i32
        %add3A_45 = arith.constant 0 : i32
        %add3A_46 = arith.addi %add3A_44, %add3A_45 : i32
        %add3A_47 = vector.broadcast %add3A_46 : i32 to vector<16xi32>
        %add3A_48 = arith.addi %iota3A, %add3A_47 : vector<16xi32>
        %min3A = arith.minsi %add3A_48, %get3A_13 : vector<16xi32>
        %swap3A = arith.constant 0 : i32
        %swap3A_49 = arith.index_cast %swap3A : i32 to index
        %swap3A_50 = arith.constant 0 : index
        %swap3A_51 = tpu.vector_load %run_scoped3A_0[%swap3A_49, %swap3A_50] {strides = array<i32>} : memref<8x32xi32, #tpu.memory_space<vmem>>, vector<16xi32>,
        tpu.vector_store %run_scoped3A_0[%swap3A_49, %swap3A_50], %min3A {strides = array<i32>} : memref<8x32xi32, #tpu.memory_space<vmem>>, vector<16xi32>,
        %add3A_52 = arith.constant 0 : i32
        %add3A_53 = arith.addi %mul3A_12, %add3A_52 : i32
        %add3A_54 = arith.constant 16 : i32
        %add3A_55 = arith.addi %add3A_53, %add3A_54 : i32
        %add3A_56 = vector.broadcast %add3A_55 : i32 to vector<16xi32>
        %add3A_57 = arith.addi %iota3A, %add3A_56 : vector<16xi32>
        %min3A_58 = arith.minsi %add3A_57, %get3A_13 : vector<16xi32>
        %swap3A_59 = arith.constant 0 : i32
        %swap3A_60 = arith.index_cast %swap3A_59 : i32 to index
        %swap3A_61 = arith.constant 16 : index
        %swap3A_62 = tpu.vector_load %run_scoped3A_0[%swap3A_60, %swap3A_61] {strides = array<i32>} : memref<8x32xi32, #tpu.memory_space<vmem>>, vector<16xi32>,
        tpu.vector_store %run_scoped3A_0[%swap3A_60, %swap3A_61], %min3A_58 {strides = array<i32>} : memref<8x32xi32, #tpu.memory_space<vmem>>, vector<16xi32>,
        %add3A_63 = arith.constant 32 : i32
        %add3A_64 = arith.addi %mul3A_12, %add3A_63 : i32
        %add3A_65 = arith.constant 0 : i32
        %add3A_66 = arith.addi %add3A_64, %add3A_65 : i32
        %add3A_67 = vector.broadcast %add3A_66 : i32 to vector<16xi32>
        %add3A_68 = arith.addi %iota3A, %add3A_67 : vector<16xi32>
        %min3A_69 = arith.minsi %add3A_68, %get3A_13 : vector<16xi32>
        %swap3A_70 = arith.constant 1 : i32
        %swap3A_71 = arith.index_cast %swap3A_70 : i32 to index
        %swap3A_72 = arith.constant 0 : index
        %swap3A_73 = tpu.vector_load %run_scoped3A_0[%swap3A_71, %swap3A_72] {strides = array<i32>} : memref<8x32xi32, #tpu.memory_space<vmem>>, vector<16xi32>,
        tpu.vector_store %run_scoped3A_0[%swap3A_71, %swap3A_72], %min3A_69 {strides = array<i32>} : memref<8x32xi32, #tpu.memory_space<vmem>>, vector<16xi32>,
        %add3A_74 = arith.constant 32 : i32
        %add3A_75 = arith.addi %mul3A_12, %add3A_74 : i32
        %add3A_76 = arith.constant 16 : i32
        %add3A_77 = arith.addi %add3A_75, %add3A_76 : i32
        %add3A_78 = vector.broadcast %add3A_77 : i32 to vector<16xi32>
        %add3A_79 = arith.addi %iota3A, %add3A_78 : vector<16xi32>
        %min3A_80 = arith.minsi %add3A_79, %get3A_13 : vector<16xi32>
        %swap3A_81 = arith.constant 1 : i32
        %swap3A_82 = arith.index_cast %swap3A_81 : i32 to index
        %swap3A_83 = arith.constant 16 : index
        %swap3A_84 = tpu.vector_load %run_scoped3A_0[%swap3A_82, %swap3A_83] {strides = array<i32>} : memref<8x32xi32, #tpu.memory_space<vmem>>, vector<16xi32>,
        tpu.vector_store %run_scoped3A_0[%swap3A_82, %swap3A_83], %min3A_80 {strides = array<i32>} : memref<8x32xi32, #tpu.memory_space<vmem>>, vector<16xi32>,
        %add3A_85 = arith.constant 64 : i32
        %add3A_86 = arith.addi %mul3A_12, %add3A_85 : i32
        %add3A_87 = arith.constant 0 : i32
        %add3A_88 = arith.addi %add3A_86, %add3A_87 : i32
        %add3A_89 = vector.broadcast %add3A_88 : i32 to vector<16xi32>
        %add3A_90 = arith.addi %iota3A, %add3A_89 : vector<16xi32>
        %min3A_91 = arith.minsi %add3A_90, %get3A_13 : vector<16xi32>
        %swap3A_92 = arith.constant 2 : i32
        %swap3A_93 = arith.index_cast %swap3A_92 : i32 to index
        %swap3A_94 = arith.constant 0 : index
        %swap3A_95 = tpu.vector_load %run_scoped3A_0[%swap3A_93, %swap3A_94] {strides = array<i32>} : memref<8x32xi32, #tpu.memory_space<vmem>>, vector<16xi32>,
        tpu.vector_store %run_scoped3A_0[%swap3A_93, %swap3A_94], %min3A_91 {strides = array<i32>} : memref<8x32xi32, #tpu.memory_space<vmem>>, vector<16xi32>,
        %add3A_96 = arith.constant 64 : i32
        %add3A_97 = arith.addi %mul3A_12, %add3A_96 : i32
        %add3A_98 = arith.constant 16 : i32
        %add3A_99 = arith.addi %add3A_97, %add3A_98 : i32
        %add3A_100 = vector.broadcast %add3A_99 : i32 to vector<16xi32>
        %add3A_101 = arith.addi %iota3A, %add3A_100 : vector<16xi32>
        %min3A_102 = arith.minsi %add3A_101, %get3A_13 : vector<16xi32>
        %swap3A_103 = arith.constant 2 : i32
        %swap3A_104 = arith.index_cast %swap3A_103 : i32 to index
        %swap3A_105 = arith.constant 16 : index
        %swap3A_106 = tpu.vector_load %run_scoped3A_0[%swap3A_104, %swap3A_105] {strides = array<i32>} : memref<8x32xi32, #tpu.memory_space<vmem>>, vector<16xi32>,
        tpu.vector_store %run_scoped3A_0[%swap3A_104, %swap3A_105], %min3A_102 {strides = array<i32>} : memref<8x32xi32, #tpu.memory_space<vmem>>, vector<16xi32>,
        %add3A_107 = arith.constant 96 : i32
        %add3A_108 = arith.addi %mul3A_12, %add3A_107 : i32
        %add3A_109 = arith.constant 0 : i32
        %add3A_110 = arith.addi %add3A_108, %add3A_109 : i32
        %add3A_111 = vector.broadcast %add3A_110 : i32 to vector<16xi32>
        %add3A_112 = arith.addi %iota3A, %add3A_111 : vector<16xi32>
        %min3A_113 = arith.minsi %add3A_112, %get3A_13 : vector<16xi32>
        %swap3A_114 = arith.constant 3 : i32
        %swap3A_115 = arith.index_cast %swap3A_114 : i32 to index
        %swap3A_116 = arith.constant 0 : index
        %swap3A_117 = tpu.vector_load %run_scoped3A_0[%swap3A_115, %swap3A_116] {strides = array<i32>} : memref<8x32xi32, #tpu.memory_space<vmem>>, vector<16xi32>,
        tpu.vector_store %run_scoped3A_0[%swap3A_115, %swap3A_116], %min3A_113 {strides = array<i32>} : memref<8x32xi32, #tpu.memory_space<vmem>>, vector<16xi32>,
        %add3A_118 = arith.constant 96 : i32
        %add3A_119 = arith.addi %mul3A_12, %add3A_118 : i32
        %add3A_120 = arith.constant 16 : i32
        %add3A_121 = arith.addi %add3A_119, %add3A_120 : i32
        %add3A_122 = vector.broadcast %add3A_121 : i32 to vector<16xi32>
        %add3A_123 = arith.addi %iota3A, %add3A_122 : vector<16xi32>
        %min3A_124 = arith.minsi %add3A_123, %get3A_13 : vector<16xi32>
        %swap3A_125 = arith.constant 3 : i32
        %swap3A_126 = arith.index_cast %swap3A_125 : i32 to index
        %swap3A_127 = arith.constant 16 : index
        %swap3A_128 = tpu.vector_load %run_scoped3A_0[%swap3A_126, %swap3A_127] {strides = array<i32>} : memref<8x32xi32, #tpu.memory_space<vmem>>, vector<16xi32>,
        tpu.vector_store %run_scoped3A_0[%swap3A_126, %swap3A_127], %min3A_124 {strides = array<i32>} : memref<8x32xi32, #tpu.memory_space<vmem>>, vector<16xi32>,
        %add3A_129 = arith.constant 128 : i32
        %add3A_130 = arith.addi %mul3A_12, %add3A_129 : i32
        %add3A_131 = arith.constant 0 : i32
        %add3A_132 = arith.addi %add3A_130, %add3A_131 : i32
        %add3A_133 = vector.broadcast %add3A_132 : i32 to vector<16xi32>
        %add3A_134 = arith.addi %iota3A, %add3A_133 : vector<16xi32>
        %min3A_135 = arith.minsi %add3A_134, %get3A_13 : vector<16xi32>
        %swap3A_136 = arith.constant 4 : i32
        %swap3A_137 = arith.index_cast %swap3A_136 : i32 to index
        %swap3A_138 = arith.constant 0 : index
        %swap3A_139 = tpu.vector_load %run_scoped3A_0[%swap3A_137, %swap3A_138] {strides = array<i32>} : memref<8x32xi32, #tpu.memory_space<vmem>>, vector<16xi32>,
        tpu.vector_store %run_scoped3A_0[%swap3A_137, %swap3A_138], %min3A_135 {strides = array<i32>} : memref<8x32xi32, #tpu.memory_space<vmem>>, vector<16xi32>,
        %add3A_140 = arith.constant 128 : i32
        %add3A_141 = arith.addi %mul3A_12, %add3A_140 : i32
        %add3A_142 = arith.constant 16 : i32
        %add3A_143 = arith.addi %add3A_141, %add3A_142 : i32
        %add3A_144 = vector.broadcast %add3A_143 : i32 to vector<16xi32>
        %add3A_145 = arith.addi %iota3A, %add3A_144 : vector<16xi32>
        %min3A_146 = arith.minsi %add3A_145, %get3A_13 : vector<16xi32>
        %swap3A_147 = arith.constant 4 : i32
        %swap3A_148 = arith.index_cast %swap3A_147 : i32 to index
        %swap3A_149 = arith.constant 16 : index
        %swap3A_150 = tpu.vector_load %run_scoped3A_0[%swap3A_148, %swap3A_149] {strides = array<i32>} : memref<8x32xi32, #tpu.memory_space<vmem>>, vector<16xi32>,
        tpu.vector_store %run_scoped3A_0[%swap3A_148, %swap3A_149], %min3A_146 {strides = array<i32>} : memref<8x32xi32, #tpu.memory_space<vmem>>, vector<16xi32>,
        %add3A_151 = arith.constant 160 : i32
        %add3A_152 = arith.addi %mul3A_12, %add3A_151 : i32
        %add3A_153 = arith.constant 0 : i32
        %add3A_154 = arith.addi %add3A_152, %add3A_153 : i32
        %add3A_155 = vector.broadcast %add3A_154 : i32 to vector<16xi32>
        %add3A_156 = arith.addi %iota3A, %add3A_155 : vector<16xi32>
        %min3A_157 = arith.minsi %add3A_156, %get3A_13 : vector<16xi32>
        %swap3A_158 = arith.constant 5 : i32
        %swap3A_159 = arith.index_cast %swap3A_158 : i32 to index
        %swap3A_160 = arith.constant 0 : index
        %swap3A_161 = tpu.vector_load %run_scoped3A_0[%swap3A_159, %swap3A_160] {strides = array<i32>} : memref<8x32xi32, #tpu.memory_space<vmem>>, vector<16xi32>,
        tpu.vector_store %run_scoped3A_0[%swap3A_159, %swap3A_160], %min3A_157 {strides = array<i32>} : memref<8x32xi32, #tpu.memory_space<vmem>>, vector<16xi32>,
        %add3A_162 = arith.constant 160 : i32
        %add3A_163 = arith.addi %mul3A_12, %add3A_162 : i32
        %add3A_164 = arith.constant 16 : i32
        %add3A_165 = arith.addi %add3A_163, %add3A_164 : i32
        %add3A_166 = vector.broadcast %add3A_165 : i32 to vector<16xi32>
        %add3A_167 = arith.addi %iota3A, %add3A_166 : vector<16xi32>
        %min3A_168 = arith.minsi %add3A_167, %get3A_13 : vector<16xi32>
        %swap3A_169 = arith.constant 5 : i32
        %swap3A_170 = arith.index_cast %swap3A_169 : i32 to index
        %swap3A_171 = arith.constant 16 : index
        %swap3A_172 = tpu.vector_load %run_scoped3A_0[%swap3A_170, %swap3A_171] {strides = array<i32>} : memref<8x32xi32, #tpu.memory_space<vmem>>, vector<16xi32>,
        tpu.vector_store %run_scoped3A_0[%swap3A_170, %swap3A_171], %min3A_168 {strides = array<i32>} : memref<8x32xi32, #tpu.memory_space<vmem>>, vector<16xi32>,
        %add3A_173 = arith.constant 192 : i32
        %add3A_174 = arith.addi %mul3A_12, %add3A_173 : i32
        %add3A_175 = arith.constant 0 : i32
        %add3A_176 = arith.addi %add3A_174, %add3A_175 : i32
        %add3A_177 = vector.broadcast %add3A_176 : i32 to vector<16xi32>
        %add3A_178 = arith.addi %iota3A, %add3A_177 : vector<16xi32>
        %min3A_179 = arith.minsi %add3A_178, %get3A_13 : vector<16xi32>
        %swap3A_180 = arith.constant 6 : i32
        %swap3A_181 = arith.index_cast %swap3A_180 : i32 to index
        %swap3A_182 = arith.constant 0 : index
        %swap3A_183 = tpu.vector_load %run_scoped3A_0[%swap3A_181, %swap3A_182] {strides = array<i32>} : memref<8x32xi32, #tpu.memory_space<vmem>>, vector<16xi32>,
        tpu.vector_store %run_scoped3A_0[%swap3A_181, %swap3A_182], %min3A_179 {strides = array<i32>} : memref<8x32xi32, #tpu.memory_space<vmem>>, vector<16xi32>,
        %add3A_184 = arith.constant 192 : i32
        %add3A_185 = arith.addi %mul3A_12, %add3A_184 : i32
        %add3A_186 = arith.constant 16 : i32
        %add3A_187 = arith.addi %add3A_185, %add3A_186 : i32
        %add3A_188 = vector.broadcast %add3A_187 : i32 to vector<16xi32>
        %add3A_189 = arith.addi %iota3A, %add3A_188 : vector<16xi32>
        %min3A_190 = arith.minsi %add3A_189, %get3A_13 : vector<16xi32>
        %swap3A_191 = arith.constant 6 : i32
        %swap3A_192 = arith.index_cast %swap3A_191 : i32 to index
        %swap3A_193 = arith.constant 16 : index
        %swap3A_194 = tpu.vector_load %run_scoped3A_0[%swap3A_192, %swap3A_193] {strides = array<i32>} : memref<8x32xi32, #tpu.memory_space<vmem>>, vector<16xi32>,
        tpu.vector_store %run_scoped3A_0[%swap3A_192, %swap3A_193], %min3A_190 {strides = array<i32>} : memref<8x32xi32, #tpu.memory_space<vmem>>, vector<16xi32>,
        %add3A_195 = arith.constant 224 : i32
        %add3A_196 = arith.addi %mul3A_12, %add3A_195 : i32
        %add3A_197 = arith.constant 0 : i32
        %add3A_198 = arith.addi %add3A_196, %add3A_197 : i32
        %add3A_199 = vector.broadcast %add3A_198 : i32 to vector<16xi32>
        %add3A_200 = arith.addi %iota3A, %add3A_199 : vector<16xi32>
        %min3A_201 = arith.minsi %add3A_200, %get3A_13 : vector<16xi32>
        %swap3A_202 = arith.constant 7 : i32
        %swap3A_203 = arith.index_cast %swap3A_202 : i32 to index
        %swap3A_204 = arith.constant 0 : index
        %swap3A_205 = tpu.vector_load %run_scoped3A_0[%swap3A_203, %swap3A_204] {strides = array<i32>} : memref<8x32xi32, #tpu.memory_space<vmem>>, vector<16xi32>,
        tpu.vector_store %run_scoped3A_0[%swap3A_203, %swap3A_204], %min3A_201 {strides = array<i32>} : memref<8x32xi32, #tpu.memory_space<vmem>>, vector<16xi32>,
        %add3A_206 = arith.constant 224 : i32
        %add3A_207 = arith.addi %mul3A_12, %add3A_206 : i32
        %add3A_208 = arith.constant 16 : i32
        %add3A_209 = arith.addi %add3A_207, %add3A_208 : i32
        %add3A_210 = vector.broadcast %add3A_209 : i32 to vector<16xi32>
        %add3A_211 = arith.addi %iota3A, %add3A_210 : vector<16xi32>
        %min3A_212 = arith.minsi %add3A_211, %get3A_13 : vector<16xi32>
        %swap3A_213 = arith.constant 7 : i32
        %swap3A_214 = arith.index_cast %swap3A_213 : i32 to index
        %swap3A_215 = arith.constant 16 : index
        %swap3A_216 = tpu.vector_load %run_scoped3A_0[%swap3A_214, %swap3A_215] {strides = array<i32>} : memref<8x32xi32, #tpu.memory_space<vmem>>, vector<16xi32>,
        tpu.vector_store %run_scoped3A_0[%swap3A_214, %swap3A_215], %min3A_212 {strides = array<i32>} : memref<8x32xi32, #tpu.memory_space<vmem>>, vector<16xi32>,
        %dma_start3A = arith.constant 0 : i32
        %dma_start3A_217 = arith.constant 0 : i32
        %dma_start3A_218 = tpu.memref_slice %run_scoped3A_0[%dma_start3A, %dma_start3A_217] : memref<8x32xi32, #tpu.memory_space<vmem>> -> memref<1x32xi32, #tpu.memory_space<vmem>>
        %dma_start3A_219 = tpu.memref_squeeze %dma_start3A_218 : memref<1x32xi32, #tpu.memory_space<vmem>> -> memref<32xi32, #tpu.memory_space<vmem>>
        %dma_start3A_220 = arith.constant 0 : i32
        %dma_start3A_221 = arith.constant 0 : i32
        %dma_start3A_222 = tpu.memref_slice %arg2[%dma_start3A_220, %dma_start3A_221] : memref<8192x1024xf32, #tpu.memory_space<hbm>> -> memref<8192x1024xf32, #tpu.memory_space<hbm>>
        tpu.enqueue_indirect_dma source(%dma_start3A_222 : memref<8192x1024xf32, #tpu.memory_space<hbm>>) target(%run_scoped3A_1 : memref<32x1024xf32, #tpu.memory_space<vmem>>) offsets(%dma_start3A_219 : memref<32xi32, #tpu.memory_space<vmem>>) semaphore(%run_scoped3A_4 : memref<!tpu.dma_semaphore, #tpu.memory_space<semaphore_mem>>)
        %dma_start3A_223 = arith.constant 1 : i32
        %dma_start3A_224 = arith.constant 0 : i32
        %dma_start3A_225 = tpu.memref_slice %run_scoped3A_0[%dma_start3A_223, %dma_start3A_224] : memref<8x32xi32, #tpu.memory_space<vmem>> -> memref<1x32xi32, #tpu.memory_space<vmem>>
        %dma_start3A_226 = tpu.memref_squeeze %dma_start3A_225 : memref<1x32xi32, #tpu.memory_space<vmem>> -> memref<32xi32, #tpu.memory_space<vmem>>
        %dma_start3A_227 = arith.constant 0 : i32
        %dma_start3A_228 = arith.constant 0 : i32
        %dma_start3A_229 = tpu.memref_slice %arg2[%dma_start3A_227, %dma_start3A_228] : memref<8192x1024xf32, #tpu.memory_space<hbm>> -> memref<8192x1024xf32, #tpu.memory_space<hbm>>
        tpu.enqueue_indirect_dma source(%dma_start3A_229 : memref<8192x1024xf32, #tpu.memory_space<hbm>>) target(%run_scoped3A_2 : memref<32x1024xf32, #tpu.memory_space<vmem>>) offsets(%dma_start3A_226 : memref<32xi32, #tpu.memory_space<vmem>>) semaphore(%run_scoped3A_5 : memref<!tpu.dma_semaphore, #tpu.memory_space<semaphore_mem>>)
        %dma_start3A_230 = arith.constant 2 : i32
        %dma_start3A_231 = arith.constant 0 : i32
        %dma_start3A_232 = tpu.memref_slice %run_scoped3A_0[%dma_start3A_230, %dma_start3A_231] : memref<8x32xi32, #tpu.memory_space<vmem>> -> memref<1x32xi32, #tpu.memory_space<vmem>>
        %dma_start3A_233 = tpu.memref_squeeze %dma_start3A_232 : memref<1x32xi32, #tpu.memory_space<vmem>> -> memref<32xi32, #tpu.memory_space<vmem>>
        %dma_start3A_234 = arith.constant 0 : i32
        %dma_start3A_235 = arith.constant 0 : i32
        %dma_start3A_236 = tpu.memref_slice %arg2[%dma_start3A_234, %dma_start3A_235] : memref<8192x1024xf32, #tpu.memory_space<hbm>> -> memref<8192x1024xf32, #tpu.memory_space<hbm>>
        tpu.enqueue_indirect_dma source(%dma_start3A_236 : memref<8192x1024xf32, #tpu.memory_space<hbm>>) target(%run_scoped3A_3 : memref<32x1024xf32, #tpu.memory_space<vmem>>) offsets(%dma_start3A_233 : memref<32xi32, #tpu.memory_space<vmem>>) semaphore(%run_scoped3A_6 : memref<!tpu.dma_semaphore, #tpu.memory_space<semaphore_mem>>)
        %dma_wait3A = arith.constant 0 : i32
        %dma_wait3A_237 = arith.constant 0 : i32
        %dma_wait3A_238 = tpu.memref_slice %run_scoped3A_0[%dma_wait3A, %dma_wait3A_237] : memref<8x32xi32, #tpu.memory_space<vmem>> -> memref<1x32xi32, #tpu.memory_space<vmem>>
        %dma_wait3A_239 = tpu.memref_squeeze %dma_wait3A_238 : memref<1x32xi32, #tpu.memory_space<vmem>> -> memref<32xi32, #tpu.memory_space<vmem>>
        %dma_wait3A_240 = arith.constant 0 : i32
        %dma_wait3A_241 = arith.constant 0 : i32
        %dma_wait3A_242 = tpu.memref_slice %arg2[%dma_wait3A_240, %dma_wait3A_241] : memref<8192x1024xf32, #tpu.memory_space<hbm>> -> memref<8192x1024xf32, #tpu.memory_space<hbm>>
        tpu.wait_indirect_dma semaphore(%run_scoped3A_4 : memref<!tpu.dma_semaphore, #tpu.memory_space<semaphore_mem>>) src(%dma_wait3A_242 : memref<8192x1024xf32, #tpu.memory_space<hbm>>) dst(%run_scoped3A_1 : memref<32x1024xf32, #tpu.memory_space<vmem>>)
        %dma_start3A_243 = arith.constant 0 : i32
        %dma_start3A_244 = tpu.memref_slice %arg4[%add3A_22, %dma_start3A_243] : memref<8192x1024xf32, #tpu.memory_space<hbm>> -> memref<32x1024xf32, #tpu.memory_space<hbm>>
        %dma_start3A_245 = arith.constant 0 : i32
        %dma_start3A_246 = tpu.memref_slice %arg4[%add3A_22, %dma_start3A_245] : memref<8192x1024xf32, #tpu.memory_space<hbm>> -> memref<32x1024xf32, #tpu.memory_space<hbm>>
        tpu.enqueue_dma source(%run_scoped3A_1 : memref<32x1024xf32, #tpu.memory_space<vmem>>) target(%dma_start3A_246 : memref<32x1024xf32, #tpu.memory_space<hbm>>) target_semaphore(%run_scoped3A_7 : memref<!tpu.dma_semaphore, #tpu.memory_space<semaphore_mem>>)
        %dma_wait3A_247 = arith.constant 0 : i32
        %dma_wait3A_248 = tpu.memref_slice %arg4[%add3A_22, %dma_wait3A_247] : memref<8192x1024xf32, #tpu.memory_space<hbm>> -> memref<32x1024xf32, #tpu.memory_space<hbm>>
        %dma_wait3A_249 = arith.constant 0 : i32
        %dma_wait3A_250 = tpu.memref_slice %arg4[%add3A_22, %dma_wait3A_249] : memref<8192x1024xf32, #tpu.memory_space<hbm>> -> memref<32x1024xf32, #tpu.memory_space<hbm>>
        tpu.wait_dma2 semaphore(%run_scoped3A_7 : memref<!tpu.dma_semaphore, #tpu.memory_space<semaphore_mem>>) src(%run_scoped3A_1 : memref<32x1024xf32, #tpu.memory_space<vmem>>) dst(%dma_wait3A_250 : memref<32x1024xf32, #tpu.memory_space<hbm>>)
        %dma_start3A_251 = arith.constant 3 : i32
        %dma_start3A_252 = arith.constant 0 : i32
        %dma_start3A_253 = tpu.memref_slice %run_scoped3A_0[%dma_start3A_251, %dma_start3A_252] : memref<8x32xi32, #tpu.memory_space<vmem>> -> memref<1x32xi32, #tpu.memory_space<vmem>>
        %dma_start3A_254 = tpu.memref_squeeze %dma_start3A_253 : memref<1x32xi32, #tpu.memory_space<vmem>> -> memref<32xi32, #tpu.memory_space<vmem>>
        %dma_start3A_255 = arith.constant 0 : i32
        %dma_start3A_256 = arith.constant 0 : i32
        %dma_start3A_257 = tpu.memref_slice %arg2[%dma_start3A_255, %dma_start3A_256] : memref<8192x1024xf32, #tpu.memory_space<hbm>> -> memref<8192x1024xf32, #tpu.memory_space<hbm>>
        tpu.enqueue_indirect_dma source(%dma_start3A_257 : memref<8192x1024xf32, #tpu.memory_space<hbm>>) target(%run_scoped3A_1 : memref<32x1024xf32, #tpu.memory_space<vmem>>) offsets(%dma_start3A_254 : memref<32xi32, #tpu.memory_space<vmem>>) semaphore(%run_scoped3A_4 : memref<!tpu.dma_semaphore, #tpu.memory_space<semaphore_mem>>)
        %dma_wait3A_258 = arith.constant 1 : i32
        %dma_wait3A_259 = arith.constant 0 : i32
        %dma_wait3A_260 = tpu.memref_slice %run_scoped3A_0[%dma_wait3A_258, %dma_wait3A_259] : memref<8x32xi32, #tpu.memory_space<vmem>> -> memref<1x32xi32, #tpu.memory_space<vmem>>
        %dma_wait3A_261 = tpu.memref_squeeze %dma_wait3A_260 : memref<1x32xi32, #tpu.memory_space<vmem>> -> memref<32xi32, #tpu.memory_space<vmem>>
        %dma_wait3A_262 = arith.constant 0 : i32
        %dma_wait3A_263 = arith.constant 0 : i32
        %dma_wait3A_264 = tpu.memref_slice %arg2[%dma_wait3A_262, %dma_wait3A_263] : memref<8192x1024xf32, #tpu.memory_space<hbm>> -> memref<8192x1024xf32, #tpu.memory_space<hbm>>
        tpu.wait_indirect_dma semaphore(%run_scoped3A_5 : memref<!tpu.dma_semaphore, #tpu.memory_space<semaphore_mem>>) src(%dma_wait3A_264 : memref<8192x1024xf32, #tpu.memory_space<hbm>>) dst(%run_scoped3A_2 : memref<32x1024xf32, #tpu.memory_space<vmem>>)
        %dma_start3A_265 = arith.constant 0 : i32
        %dma_start3A_266 = tpu.memref_slice %arg4[%add3A_24, %dma_start3A_265] : memref<8192x1024xf32, #tpu.memory_space<hbm>> -> memref<32x1024xf32, #tpu.memory_space<hbm>>
        %dma_start3A_267 = arith.constant 0 : i32
        %dma_start3A_268 = tpu.memref_slice %arg4[%add3A_24, %dma_start3A_267] : memref<8192x1024xf32, #tpu.memory_space<hbm>> -> memref<32x1024xf32, #tpu.memory_space<hbm>>
        tpu.enqueue_dma source(%run_scoped3A_2 : memref<32x1024xf32, #tpu.memory_space<vmem>>) target(%dma_start3A_268 : memref<32x1024xf32, #tpu.memory_space<hbm>>) target_semaphore(%run_scoped3A_8 : memref<!tpu.dma_semaphore, #tpu.memory_space<semaphore_mem>>)
        %dma_wait3A_269 = arith.constant 0 : i32
        %dma_wait3A_270 = tpu.memref_slice %arg4[%add3A_24, %dma_wait3A_269] : memref<8192x1024xf32, #tpu.memory_space<hbm>> -> memref<32x1024xf32, #tpu.memory_space<hbm>>
        %dma_wait3A_271 = arith.constant 0 : i32
        %dma_wait3A_272 = tpu.memref_slice %arg4[%add3A_24, %dma_wait3A_271] : memref<8192x1024xf32, #tpu.memory_space<hbm>> -> memref<32x1024xf32, #tpu.memory_space<hbm>>
        tpu.wait_dma2 semaphore(%run_scoped3A_8 : memref<!tpu.dma_semaphore, #tpu.memory_space<semaphore_mem>>) src(%run_scoped3A_2 : memref<32x1024xf32, #tpu.memory_space<vmem>>) dst(%dma_wait3A_272 : memref<32x1024xf32, #tpu.memory_space<hbm>>)
        %dma_start3A_273 = arith.constant 4 : i32
        %dma_start3A_274 = arith.constant 0 : i32
        %dma_start3A_275 = tpu.memref_slice %run_scoped3A_0[%dma_start3A_273, %dma_start3A_274] : memref<8x32xi32, #tpu.memory_space<vmem>> -> memref<1x32xi32, #tpu.memory_space<vmem>>
        %dma_start3A_276 = tpu.memref_squeeze %dma_start3A_275 : memref<1x32xi32, #tpu.memory_space<vmem>> -> memref<32xi32, #tpu.memory_space<vmem>>
        %dma_start3A_277 = arith.constant 0 : i32
        %dma_start3A_278 = arith.constant 0 : i32
        %dma_start3A_279 = tpu.memref_slice %arg2[%dma_start3A_277, %dma_start3A_278] : memref<8192x1024xf32, #tpu.memory_space<hbm>> -> memref<8192x1024xf32, #tpu.memory_space<hbm>>
        tpu.enqueue_indirect_dma source(%dma_start3A_279 : memref<8192x1024xf32, #tpu.memory_space<hbm>>) target(%run_scoped3A_2 : memref<32x1024xf32, #tpu.memory_space<vmem>>) offsets(%dma_start3A_276 : memref<32xi32, #tpu.memory_space<vmem>>) semaphore(%run_scoped3A_5 : memref<!tpu.dma_semaphore, #tpu.memory_space<semaphore_mem>>)
        %dma_wait3A_280 = arith.constant 2 : i32
        %dma_wait3A_281 = arith.constant 0 : i32
        %dma_wait3A_282 = tpu.memref_slice %run_scoped3A_0[%dma_wait3A_280, %dma_wait3A_281] : memref<8x32xi32, #tpu.memory_space<vmem>> -> memref<1x32xi32, #tpu.memory_space<vmem>>
        %dma_wait3A_283 = tpu.memref_squeeze %dma_wait3A_282 : memref<1x32xi32, #tpu.memory_space<vmem>> -> memref<32xi32, #tpu.memory_space<vmem>>
        %dma_wait3A_284 = arith.constant 0 : i32
        %dma_wait3A_285 = arith.constant 0 : i32
        %dma_wait3A_286 = tpu.memref_slice %arg2[%dma_wait3A_284, %dma_wait3A_285] : memref<8192x1024xf32, #tpu.memory_space<hbm>> -> memref<8192x1024xf32, #tpu.memory_space<hbm>>
        tpu.wait_indirect_dma semaphore(%run_scoped3A_6 : memref<!tpu.dma_semaphore, #tpu.memory_space<semaphore_mem>>) src(%dma_wait3A_286 : memref<8192x1024xf32, #tpu.memory_space<hbm>>) dst(%run_scoped3A_3 : memref<32x1024xf32, #tpu.memory_space<vmem>>)
        %dma_start3A_287 = arith.constant 0 : i32
        %dma_start3A_288 = tpu.memref_slice %arg4[%add3A_26, %dma_start3A_287] : memref<8192x1024xf32, #tpu.memory_space<hbm>> -> memref<32x1024xf32, #tpu.memory_space<hbm>>
        %dma_start3A_289 = arith.constant 0 : i32
        %dma_start3A_290 = tpu.memref_slice %arg4[%add3A_26, %dma_start3A_289] : memref<8192x1024xf32, #tpu.memory_space<hbm>> -> memref<32x1024xf32, #tpu.memory_space<hbm>>
        tpu.enqueue_dma source(%run_scoped3A_3 : memref<32x1024xf32, #tpu.memory_space<vmem>>) target(%dma_start3A_290 : memref<32x1024xf32, #tpu.memory_space<hbm>>) target_semaphore(%run_scoped3A_9 : memref<!tpu.dma_semaphore, #tpu.memory_space<semaphore_mem>>)
        %dma_wait3A_291 = arith.constant 0 : i32
        %dma_wait3A_292 = tpu.memref_slice %arg4[%add3A_26, %dma_wait3A_291] : memref<8192x1024xf32, #tpu.memory_space<hbm>> -> memref<32x1024xf32, #tpu.memory_space<hbm>>
        %dma_wait3A_293 = arith.constant 0 : i32
        %dma_wait3A_294 = tpu.memref_slice %arg4[%add3A_26, %dma_wait3A_293] : memref<8192x1024xf32, #tpu.memory_space<hbm>> -> memref<32x1024xf32, #tpu.memory_space<hbm>>
        tpu.wait_dma2 semaphore(%run_scoped3A_9 : memref<!tpu.dma_semaphore, #tpu.memory_space<semaphore_mem>>) src(%run_scoped3A_3 : memref<32x1024xf32, #tpu.memory_space<vmem>>) dst(%dma_wait3A_294 : memref<32x1024xf32, #tpu.memory_space<hbm>>)
        %dma_start3A_295 = arith.constant 5 : i32
        %dma_start3A_296 = arith.constant 0 : i32
        %dma_start3A_297 = tpu.memref_slice %run_scoped3A_0[%dma_start3A_295, %dma_start3A_296] : memref<8x32xi32, #tpu.memory_space<vmem>> -> memref<1x32xi32, #tpu.memory_space<vmem>>
        %dma_start3A_298 = tpu.memref_squeeze %dma_start3A_297 : memref<1x32xi32, #tpu.memory_space<vmem>> -> memref<32xi32, #tpu.memory_space<vmem>>
        %dma_start3A_299 = arith.constant 0 : i32
        %dma_start3A_300 = arith.constant 0 : i32
        %dma_start3A_301 = tpu.memref_slice %arg2[%dma_start3A_299, %dma_start3A_300] : memref<8192x1024xf32, #tpu.memory_space<hbm>> -> memref<8192x1024xf32, #tpu.memory_space<hbm>>
        tpu.enqueue_indirect_dma source(%dma_start3A_301 : memref<8192x1024xf32, #tpu.memory_space<hbm>>) target(%run_scoped3A_3 : memref<32x1024xf32, #tpu.memory_space<vmem>>) offsets(%dma_start3A_298 : memref<32xi32, #tpu.memory_space<vmem>>) semaphore(%run_scoped3A_6 : memref<!tpu.dma_semaphore, #tpu.memory_space<semaphore_mem>>)
        %dma_wait3A_302 = arith.constant 3 : i32
        %dma_wait3A_303 = arith.constant 0 : i32
        %dma_wait3A_304 = tpu.memref_slice %run_scoped3A_0[%dma_wait3A_302, %dma_wait3A_303] : memref<8x32xi32, #tpu.memory_space<vmem>> -> memref<1x32xi32, #tpu.memory_space<vmem>>
        %dma_wait3A_305 = tpu.memref_squeeze %dma_wait3A_304 : memref<1x32xi32, #tpu.memory_space<vmem>> -> memref<32xi32, #tpu.memory_space<vmem>>
        %dma_wait3A_306 = arith.constant 0 : i32
        %dma_wait3A_307 = arith.constant 0 : i32
        %dma_wait3A_308 = tpu.memref_slice %arg2[%dma_wait3A_306, %dma_wait3A_307] : memref<8192x1024xf32, #tpu.memory_space<hbm>> -> memref<8192x1024xf32, #tpu.memory_space<hbm>>
        tpu.wait_indirect_dma semaphore(%run_scoped3A_4 : memref<!tpu.dma_semaphore, #tpu.memory_space<semaphore_mem>>) src(%dma_wait3A_308 : memref<8192x1024xf32, #tpu.memory_space<hbm>>) dst(%run_scoped3A_1 : memref<32x1024xf32, #tpu.memory_space<vmem>>)
        %dma_start3A_309 = arith.constant 0 : i32
        %dma_start3A_310 = tpu.memref_slice %arg4[%add3A_28, %dma_start3A_309] : memref<8192x1024xf32, #tpu.memory_space<hbm>> -> memref<32x1024xf32, #tpu.memory_space<hbm>>
        %dma_start3A_311 = arith.constant 0 : i32
        %dma_start3A_312 = tpu.memref_slice %arg4[%add3A_28, %dma_start3A_311] : memref<8192x1024xf32, #tpu.memory_space<hbm>> -> memref<32x1024xf32, #tpu.memory_space<hbm>>
        tpu.enqueue_dma source(%run_scoped3A_1 : memref<32x1024xf32, #tpu.memory_space<vmem>>) target(%dma_start3A_312 : memref<32x1024xf32, #tpu.memory_space<hbm>>) target_semaphore(%run_scoped3A_7 : memref<!tpu.dma_semaphore, #tpu.memory_space<semaphore_mem>>)
        %dma_wait3A_313 = arith.constant 0 : i32
        %dma_wait3A_314 = tpu.memref_slice %arg4[%add3A_28, %dma_wait3A_313] : memref<8192x1024xf32, #tpu.memory_space<hbm>> -> memref<32x1024xf32, #tpu.memory_space<hbm>>
        %dma_wait3A_315 = arith.constant 0 : i32
        %dma_wait3A_316 = tpu.memref_slice %arg4[%add3A_28, %dma_wait3A_315] : memref<8192x1024xf32, #tpu.memory_space<hbm>> -> memref<32x1024xf32, #tpu.memory_space<hbm>>
        tpu.wait_dma2 semaphore(%run_scoped3A_7 : memref<!tpu.dma_semaphore, #tpu.memory_space<semaphore_mem>>) src(%run_scoped3A_1 : memref<32x1024xf32, #tpu.memory_space<vmem>>) dst(%dma_wait3A_316 : memref<32x1024xf32, #tpu.memory_space<hbm>>)
        %dma_start3A_317 = arith.constant 6 : i32
        %dma_start3A_318 = arith.constant 0 : i32
        %dma_start3A_319 = tpu.memref_slice %run_scoped3A_0[%dma_start3A_317, %dma_start3A_318] : memref<8x32xi32, #tpu.memory_space<vmem>> -> memref<1x32xi32, #tpu.memory_space<vmem>>
        %dma_start3A_320 = tpu.memref_squeeze %dma_start3A_319 : memref<1x32xi32, #tpu.memory_space<vmem>> -> memref<32xi32, #tpu.memory_space<vmem>>
        %dma_start3A_321 = arith.constant 0 : i32
        %dma_start3A_322 = arith.constant 0 : i32
        %dma_start3A_323 = tpu.memref_slice %arg2[%dma_start3A_321, %dma_start3A_322] : memref<8192x1024xf32, #tpu.memory_space<hbm>> -> memref<8192x1024xf32, #tpu.memory_space<hbm>>
        tpu.enqueue_indirect_dma source(%dma_start3A_323 : memref<8192x1024xf32, #tpu.memory_space<hbm>>) target(%run_scoped3A_1 : memref<32x1024xf32, #tpu.memory_space<vmem>>) offsets(%dma_start3A_320 : memref<32xi32, #tpu.memory_space<vmem>>) semaphore(%run_scoped3A_4 : memref<!tpu.dma_semaphore, #tpu.memory_space<semaphore_mem>>)
        %dma_wait3A_324 = arith.constant 4 : i32
        %dma_wait3A_325 = arith.constant 0 : i32
        %dma_wait3A_326 = tpu.memref_slice %run_scoped3A_0[%dma_wait3A_324, %dma_wait3A_325] : memref<8x32xi32, #tpu.memory_space<vmem>> -> memref<1x32xi32, #tpu.memory_space<vmem>>
        %dma_wait3A_327 = tpu.memref_squeeze %dma_wait3A_326 : memref<1x32xi32, #tpu.memory_space<vmem>> -> memref<32xi32, #tpu.memory_space<vmem>>
        %dma_wait3A_328 = arith.constant 0 : i32
        %dma_wait3A_329 = arith.constant 0 : i32
        %dma_wait3A_330 = tpu.memref_slice %arg2[%dma_wait3A_328, %dma_wait3A_329] : memref<8192x1024xf32, #tpu.memory_space<hbm>> -> memref<8192x1024xf32, #tpu.memory_space<hbm>>
        tpu.wait_indirect_dma semaphore(%run_scoped3A_5 : memref<!tpu.dma_semaphore, #tpu.memory_space<semaphore_mem>>) src(%dma_wait3A_330 : memref<8192x1024xf32, #tpu.memory_space<hbm>>) dst(%run_scoped3A_2 : memref<32x1024xf32, #tpu.memory_space<vmem>>)
        %dma_start3A_331 = arith.constant 0 : i32
        %dma_start3A_332 = tpu.memref_slice %arg4[%add3A_30, %dma_start3A_331] : memref<8192x1024xf32, #tpu.memory_space<hbm>> -> memref<32x1024xf32, #tpu.memory_space<hbm>>
        %dma_start3A_333 = arith.constant 0 : i32
        %dma_start3A_334 = tpu.memref_slice %arg4[%add3A_30, %dma_start3A_333] : memref<8192x1024xf32, #tpu.memory_space<hbm>> -> memref<32x1024xf32, #tpu.memory_space<hbm>>
        tpu.enqueue_dma source(%run_scoped3A_2 : memref<32x1024xf32, #tpu.memory_space<vmem>>) target(%dma_start3A_334 : memref<32x1024xf32, #tpu.memory_space<hbm>>) target_semaphore(%run_scoped3A_8 : memref<!tpu.dma_semaphore, #tpu.memory_space<semaphore_mem>>)
        %dma_wait3A_335 = arith.constant 0 : i32
        %dma_wait3A_336 = tpu.memref_slice %arg4[%add3A_30, %dma_wait3A_335] : memref<8192x1024xf32, #tpu.memory_space<hbm>> -> memref<32x1024xf32, #tpu.memory_space<hbm>>
        %dma_wait3A_337 = arith.constant 0 : i32
        %dma_wait3A_338 = tpu.memref_slice %arg4[%add3A_30, %dma_wait3A_337] : memref<8192x1024xf32, #tpu.memory_space<hbm>> -> memref<32x1024xf32, #tpu.memory_space<hbm>>
        tpu.wait_dma2 semaphore(%run_scoped3A_8 : memref<!tpu.dma_semaphore, #tpu.memory_space<semaphore_mem>>) src(%run_scoped3A_2 : memref<32x1024xf32, #tpu.memory_space<vmem>>) dst(%dma_wait3A_338 : memref<32x1024xf32, #tpu.memory_space<hbm>>)
        %dma_start3A_339 = arith.constant 7 : i32
        %dma_start3A_340 = arith.constant 0 : i32
        %dma_start3A_341 = tpu.memref_slice %run_scoped3A_0[%dma_start3A_339, %dma_start3A_340] : memref<8x32xi32, #tpu.memory_space<vmem>> -> memref<1x32xi32, #tpu.memory_space<vmem>>
        %dma_start3A_342 = tpu.memref_squeeze %dma_start3A_341 : memref<1x32xi32, #tpu.memory_space<vmem>> -> memref<32xi32, #tpu.memory_space<vmem>>
        %dma_start3A_343 = arith.constant 0 : i32
        %dma_start3A_344 = arith.constant 0 : i32
        %dma_start3A_345 = tpu.memref_slice %arg2[%dma_start3A_343, %dma_start3A_344] : memref<8192x1024xf32, #tpu.memory_space<hbm>> -> memref<8192x1024xf32, #tpu.memory_space<hbm>>
        tpu.enqueue_indirect_dma source(%dma_start3A_345 : memref<8192x1024xf32, #tpu.memory_space<hbm>>) target(%run_scoped3A_2 : memref<32x1024xf32, #tpu.memory_space<vmem>>) offsets(%dma_start3A_342 : memref<32xi32, #tpu.memory_space<vmem>>) semaphore(%run_scoped3A_5 : memref<!tpu.dma_semaphore, #tpu.memory_space<semaphore_mem>>)
        %dma_wait3A_346 = arith.constant 5 : i32
        %dma_wait3A_347 = arith.constant 0 : i32
        %dma_wait3A_348 = tpu.memref_slice %run_scoped3A_0[%dma_wait3A_346, %dma_wait3A_347] : memref<8x32xi32, #tpu.memory_space<vmem>> -> memref<1x32xi32, #tpu.memory_space<vmem>>
        %dma_wait3A_349 = tpu.memref_squeeze %dma_wait3A_348 : memref<1x32xi32, #tpu.memory_space<vmem>> -> memref<32xi32, #tpu.memory_space<vmem>>
        %dma_wait3A_350 = arith.constant 0 : i32
        %dma_wait3A_351 = arith.constant 0 : i32
        %dma_wait3A_352 = tpu.memref_slice %arg2[%dma_wait3A_350, %dma_wait3A_351] : memref<8192x1024xf32, #tpu.memory_space<hbm>> -> memref<8192x1024xf32, #tpu.memory_space<hbm>>
        tpu.wait_indirect_dma semaphore(%run_scoped3A_6 : memref<!tpu.dma_semaphore, #tpu.memory_space<semaphore_mem>>) src(%dma_wait3A_352 : memref<8192x1024xf32, #tpu.memory_space<hbm>>) dst(%run_scoped3A_3 : memref<32x1024xf32, #tpu.memory_space<vmem>>)
        %dma_start3A_353 = arith.constant 0 : i32
        %dma_start3A_354 = tpu.memref_slice %arg4[%add3A_32, %dma_start3A_353] : memref<8192x1024xf32, #tpu.memory_space<hbm>> -> memref<32x1024xf32, #tpu.memory_space<hbm>>
        %dma_start3A_355 = arith.constant 0 : i32
        %dma_start3A_356 = tpu.memref_slice %arg4[%add3A_32, %dma_start3A_355] : memref<8192x1024xf32, #tpu.memory_space<hbm>> -> memref<32x1024xf32, #tpu.memory_space<hbm>>
        tpu.enqueue_dma source(%run_scoped3A_3 : memref<32x1024xf32, #tpu.memory_space<vmem>>) target(%dma_start3A_356 : memref<32x1024xf32, #tpu.memory_space<hbm>>) target_semaphore(%run_scoped3A_9 : memref<!tpu.dma_semaphore, #tpu.memory_space<semaphore_mem>>)
        %dma_wait3A_357 = arith.constant 6 : i32
        %dma_wait3A_358 = arith.constant 0 : i32
        %dma_wait3A_359 = tpu.memref_slice %run_scoped3A_0[%dma_wait3A_357, %dma_wait3A_358] : memref<8x32xi32, #tpu.memory_space<vmem>> -> memref<1x32xi32, #tpu.memory_space<vmem>>
        %dma_wait3A_360 = tpu.memref_squeeze %dma_wait3A_359 : memref<1x32xi32, #tpu.memory_space<vmem>> -> memref<32xi32, #tpu.memory_space<vmem>>
        %dma_wait3A_361 = arith.constant 0 : i32
        %dma_wait3A_362 = arith.constant 0 : i32
        %dma_wait3A_363 = tpu.memref_slice %arg2[%dma_wait3A_361, %dma_wait3A_362] : memref<8192x1024xf32, #tpu.memory_space<hbm>> -> memref<8192x1024xf32, #tpu.memory_space<hbm>>
        tpu.wait_indirect_dma semaphore(%run_scoped3A_4 : memref<!tpu.dma_semaphore, #tpu.memory_space<semaphore_mem>>) src(%dma_wait3A_363 : memref<8192x1024xf32, #tpu.memory_space<hbm>>) dst(%run_scoped3A_1 : memref<32x1024xf32, #tpu.memory_space<vmem>>)
        %dma_start3A_364 = arith.constant 0 : i32
        %dma_start3A_365 = tpu.memref_slice %arg4[%add3A_34, %dma_start3A_364] : memref<8192x1024xf32, #tpu.memory_space<hbm>> -> memref<32x1024xf32, #tpu.memory_space<hbm>>
        %dma_start3A_366 = arith.constant 0 : i32
        %dma_start3A_367 = tpu.memref_slice %arg4[%add3A_34, %dma_start3A_366] : memref<8192x1024xf32, #tpu.memory_space<hbm>> -> memref<32x1024xf32, #tpu.memory_space<hbm>>
        tpu.enqueue_dma source(%run_scoped3A_1 : memref<32x1024xf32, #tpu.memory_space<vmem>>) target(%dma_start3A_367 : memref<32x1024xf32, #tpu.memory_space<hbm>>) target_semaphore(%run_scoped3A_7 : memref<!tpu.dma_semaphore, #tpu.memory_space<semaphore_mem>>)
        %dma_wait3A_368 = arith.constant 7 : i32
        %dma_wait3A_369 = arith.constant 0 : i32
        %dma_wait3A_370 = tpu.memref_slice %run_scoped3A_0[%dma_wait3A_368, %dma_wait3A_369] : memref<8x32xi32, #tpu.memory_space<vmem>> -> memref<1x32xi32, #tpu.memory_space<vmem>>
        %dma_wait3A_371 = tpu.memref_squeeze %dma_wait3A_370 : memref<1x32xi32, #tpu.memory_space<vmem>> -> memref<32xi32, #tpu.memory_space<vmem>>
        %dma_wait3A_372 = arith.constant 0 : i32
        %dma_wait3A_373 = arith.constant 0 : i32
        %dma_wait3A_374 = tpu.memref_slice %arg2[%dma_wait3A_372, %dma_wait3A_373] : memref<8192x1024xf32, #tpu.memory_space<hbm>> -> memref<8192x1024xf32, #tpu.memory_space<hbm>>
        tpu.wait_indirect_dma semaphore(%run_scoped3A_5 : memref<!tpu.dma_semaphore, #tpu.memory_space<semaphore_mem>>) src(%dma_wait3A_374 : memref<8192x1024xf32, #tpu.memory_space<hbm>>) dst(%run_scoped3A_2 : memref<32x1024xf32, #tpu.memory_space<vmem>>)
        %dma_start3A_375 = arith.constant 0 : i32
        %dma_start3A_376 = tpu.memref_slice %arg4[%add3A_36, %dma_start3A_375] : memref<8192x1024xf32, #tpu.memory_space<hbm>> -> memref<32x1024xf32, #tpu.memory_space<hbm>>
        %dma_start3A_377 = arith.constant 0 : i32
        %dma_start3A_378 = tpu.memref_slice %arg4[%add3A_36, %dma_start3A_377] : memref<8192x1024xf32, #tpu.memory_space<hbm>> -> memref<32x1024xf32, #tpu.memory_space<hbm>>
        tpu.enqueue_dma source(%run_scoped3A_2 : memref<32x1024xf32, #tpu.memory_space<vmem>>) target(%dma_start3A_378 : memref<32x1024xf32, #tpu.memory_space<hbm>>) target_semaphore(%run_scoped3A_8 : memref<!tpu.dma_semaphore, #tpu.memory_space<semaphore_mem>>)
        %dma_wait3A_379 = arith.constant 0 : i32
        %dma_wait3A_380 = tpu.memref_slice %arg4[%add3A_34, %dma_wait3A_379] : memref<8192x1024xf32, #tpu.memory_space<hbm>> -> memref<32x1024xf32, #tpu.memory_space<hbm>>
        %dma_wait3A_381 = arith.constant 0 : i32
        %dma_wait3A_382 = tpu.memref_slice %arg4[%add3A_34, %dma_wait3A_381] : memref<8192x1024xf32, #tpu.memory_space<hbm>> -> memref<32x1024xf32, #tpu.memory_space<hbm>>
        tpu.wait_dma2 semaphore(%run_scoped3A_7 : memref<!tpu.dma_semaphore, #tpu.memory_space<semaphore_mem>>) src(%run_scoped3A_1 : memref<32x1024xf32, #tpu.memory_space<vmem>>) dst(%dma_wait3A_382 : memref<32x1024xf32, #tpu.memory_space<hbm>>)
        %dma_wait3A_383 = arith.constant 0 : i32
        %dma_wait3A_384 = tpu.memref_slice %arg4[%add3A_36, %dma_wait3A_383] : memref<8192x1024xf32, #tpu.memory_space<hbm>> -> memref<32x1024xf32, #tpu.memory_space<hbm>>
        %dma_wait3A_385 = arith.constant 0 : i32
        %dma_wait3A_386 = tpu.memref_slice %arg4[%add3A_36, %dma_wait3A_385] : memref<8192x1024xf32, #tpu.memory_space<hbm>> -> memref<32x1024xf32, #tpu.memory_space<hbm>>
        tpu.wait_dma2 semaphore(%run_scoped3A_8 : memref<!tpu.dma_semaphore, #tpu.memory_space<semaphore_mem>>) src(%run_scoped3A_2 : memref<32x1024xf32, #tpu.memory_space<vmem>>) dst(%dma_wait3A_386 : memref<32x1024xf32, #tpu.memory_space<hbm>>)
        %dma_wait3A_387 = arith.constant 0 : i32
        %dma_wait3A_388 = tpu.memref_slice %arg4[%add3A_32, %dma_wait3A_387] : memref<8192x1024xf32, #tpu.memory_space<hbm>> -> memref<32x1024xf32, #tpu.memory_space<hbm>>
        %dma_wait3A_389 = arith.constant 0 : i32
        %dma_wait3A_390 = tpu.memref_slice %arg4[%add3A_32, %dma_wait3A_389] : memref<8192x1024xf32, #tpu.memory_space<hbm>> -> memref<32x1024xf32, #tpu.memory_space<hbm>>
        tpu.wait_dma2 semaphore(%run_scoped3A_9 : memref<!tpu.dma_semaphore, #tpu.memory_space<semaphore_mem>>) src(%run_scoped3A_3 : memref<32x1024xf32, #tpu.memory_space<vmem>>) dst(%dma_wait3A_390 : memref<32x1024xf32, #tpu.memory_space<hbm>>)
      } else {
      }
      tpu.yield
    }) : () -> ()
    return
  }
}

</mosaic_0001>

<sc_bundles>
// kernel: kernel.3.cloned.1.call-start
scs
__scs_entry_jumppad:
0x0: {  	(pc) =	sbr.rel $0x88, $3  }
0x1: {  	(tag) =	ssettag $0x0;
	lr =	simm.s32 $0x1  }
0x2: {  	[smem:$0x3F9F] =	sst lr;
	_ =	strace $0xD0000000  }
0x3: {  	_ = 	snop  }
0x4: {  	_ = 	snop  }
0x5: {  	_ = 	snop  }
0x6: {  	_ = 	snop  }
0x7: {  	_ = 	snop  }
__scs_overlays_trampoline_lowered:
0x8: {  	[smem:$0x3FAE] =	sst s0  }
0x9: {  	[smem:$0x3FAF] =	sst s1  }
0xa: {  	[smem:$0x3FB0] =	sst s2  }
0xb: {  	[smem:$0x3FB1] =	sst s3  }
0xc: {  	[smem:$0x3FB2] =	sst s4  }
0xd: {  	[smem:$0x3FB3] =	sst s5  }
0xe: {  	[smem:$0x3FB4] =	sst s6  }
0xf: {  	[smem:$0x3FB5] =	sst s7  }
0x10: {  	[smem:$0x3FB6] =	sst s8  }
0x11: {  	[smem:$0x3FB7] =	sst s9;
	s0 =	simm.s32 @!p0 $0x0  }
0x12: {  	s1 =	sld [smem:$0x3F9D];
	s0 =	simm.s32 @p0 $0x1  }
0x13: {  	[smem:$0x3FB8] =	sst s0;
	s0 =	simm.s32 @!p1 $0x0  }
0x14: {  	s2 =	sld [smem:$0x3F9C];
	s0 =	simm.s32 @p1 $0x1  }
0x15: {  	[smem:$0x3FB9] =	sst s0;
	s0 =	simm.s32 @!p2 $0x0  }
0x16: {  	s3 =	sld [smem:$0x3FDB];
	s0 =	simm.s32 @p2 $0x1  }
0x17: {  	s4 =	simm.s32 $0x1BF5;
	[smem:$0x3FBB] =	sst s0  }
0x18: {  	s0 =	sld [smem:$0x3F9E];
	_ =	swait.ge [sflag:s4], $0x0  }
0x19: {  	s7 =	sld [smem:$0x3F9F]  }
0x1a: {  	s8 =	sadd.s32 $0xFFFFE003, lr  }
0x1b: {  	s9 =	sadd.s32 $0xFFFFFEF7, lr;
	s5 =	simm.s32 $0xFFFFFFFF;
	p2 =	slt.u32 s8, $0xFFFFF086  }
0x1c: {  	p1 =	slt.u32 s9, $0xF7A;
	s5 =	simm.s32 @!p2 $0x0  }
0x1d: {  	s5 =	simm.s32 @p1 $0x1;
	p0 =	seq.s32 s7, s2  }
0x1e: {  	s7 =	smul.u32 @!p0 $0xF7A, s2;
	p2 =	seq.s32 @!p0 s5, $0x0  }
0x1f: {  	s9 =	smul.u32 $0xF7A, s1;
	s8 =	simm.s32 @!p0 $0x1BF5;
	p2 =	por !p2, p0  }
0x20: {  	[sflag:s8] =	ssyncset.s32 @!p0 $0xFFFFF086;
	s6 =	sadd.s32 @!p0 s3, s7;
	s7 =	simm.s32 @!p0 $0x108  }
0x21: {  	s3 =	sadd.s32 s3, s9;
	s6 =	sadd.s32 @!p0 $0x88, s6;
	s7 =	simm.s32 @p2 $0x1082  }
0x22: {  	[simem:s7], [sflag:s8] =	dma.local @!p0 [hbm:s6], $0xF7A  }
0x23: {  	s9 =	sor.u32 $0xD0000000, s2;
	s6 =	simm.s32 $0x108;
	_ =	swait.ge @!p0 [sflag:s8], $0x0  }
0x24: {  	s3 =	sadd.s32 $0x88, s3;
	s6 =	simm.s32 @!p1 $0x1082;
	[sflag:s4] =	ssyncset.s32 $0xFFFFF086  }
0x25: {  	[simem:s6], [sflag:s4] =	dma.local [hbm:s3], $0xF7A  }
0x26: {  	[smem:$0x3F9F] =	sst s1;
	(tag) =	ssettag s2;
	_ =	strace s9  }
0x27: {  	s1 =	sld [smem:$0x3FAF]  }
0x28: {  	s2 =	sld [smem:$0x3FB0]  }
0x29: {  	s4 =	sld [smem:$0x3FB2]  }
0x2a: {  	p0 =	seq.s32 s5, $0x0;
	s5 =	sld [smem:$0x3FB3]  }
0x2b: {  	s6 =	sld [smem:$0x3FB4]  }
0x2c: {  	s7 =	sld [smem:$0x3FB5]  }
0x2d: {  	s3 =	simm.s32 $0x108;
	s8 =	sld [smem:$0x3FB6]  }
0x2e: {  	s3 =	simm.s32 @!p0 $0x1082;
	s9 =	sld [smem:$0x3FB7]  }
0x2f: {  	lr =	sadd.s32 s0, s3;
	s0 =	sld [smem:$0x3FAE]  }
0x30: {  	s3 =	sld [smem:$0x3FB1]  }
0x31: {  	[smem:$0x3FBA] =	sst s10  }
0x32: {  	s10 =	sld [smem:$0x3FB8];
	_ =	sdelay $0x3  }
0x33: {  	p0 =	seq.s32 s10, $0x1;
	s10 =	sld [smem:$0x3FBA];
	_ =	sdelay $0x3  }
0x34: {  	[smem:$0x3FBA] =	sst s10  }
0x35: {  	s10 =	sld [smem:$0x3FB9];
	_ =	sdelay $0x3  }
0x36: {  	p1 =	seq.s32 s10, $0x1;
	s10 =	sld [smem:$0x3FBA];
	_ =	sdelay $0x3  }
0x37: {  	[smem:$0x3FBA] =	sst s10  }
0x38: {  	s10 =	sld [smem:$0x3FBB]  }
0x39: {  	_ = 	snop;
	(pc) =	sbr.ind lr, $3  }
0x3a: {  	_ = 	snop  }
0x3b: {  	_ = 	snop  }
0x3c: {  	p2 =	seq.s32 s10, $0x1;
	s10 =	sld [smem:$0x3FBA]  }
0x3d: {  	_ =	shalt  }
0x3e: {  	_ =	shalt  }
0x3f: {  	_ =	shalt  }
0x40: {  	_ =	shalt  }
0x41: {  	_ =	shalt  }
0x42: {  	_ =	shalt  }
0x43: {  	_ =	shalt  }
0x44: {  	_ =	shalt  }
0x45: {  	_ =	shalt  }
0x46: {  	_ =	shalt  }
0x47: {  	_ =	shalt  }
0x48: {  	_ =	shalt  }
0x49: {  	_ =	shalt  }
0x4a: {  	_ =	shalt  }
0x4b: {  	_ =	shalt  }
0x4c: {  	_ =	shalt  }
0x4d: {  	_ =	shalt  }
0x4e: {  	_ =	shalt  }
0x4f: {  	_ =	shalt  }
0x50: {  	_ =	shalt  }
0x51: {  	_ =	shalt  }
0x52: {  	_ =	shalt  }
0x53: {  	_ =	shalt  }
0x54: {  	_ =	shalt  }
0x55: {  	_ =	shalt  }
0x56: {  	_ =	shalt  }
0x57: {  	_ =	shalt  }
0x58: {  	_ =	shalt  }
0x59: {  	_ =	shalt  }
0x5a: {  	_ =	shalt  }
0x5b: {  	_ =	shalt  }
0x5c: {  	_ =	shalt  }
0x5d: {  	_ =	shalt  }
0x5e: {  	_ =	shalt  }
0x5f: {  	_ =	shalt  }
0x60: {  	_ =	shalt  }
0x61: {  	_ =	shalt  }
0x62: {  	_ =	shalt  }
0x63: {  	_ =	shalt  }
0x64: {  	_ =	shalt  }
0x65: {  	_ =	shalt  }
0x66: {  	_ =	shalt  }
0x67: {  	_ =	shalt  }
0x68: {  	_ =	shalt  }
0x69: {  	_ =	shalt  }
0x6a: {  	_ =	shalt  }
0x6b: {  	_ =	shalt  }
0x6c: {  	_ =	shalt  }
0x6d: {  	_ =	shalt  }
0x6e: {  	_ =	shalt  }
0x6f: {  	_ =	shalt  }
0x70: {  	_ =	shalt  }
0x71: {  	_ =	shalt  }
0x72: {  	_ =	shalt  }
0x73: {  	_ =	shalt  }
0x74: {  	_ =	shalt  }
0x75: {  	_ =	shalt  }
0x76: {  	_ =	shalt  }
0x77: {  	_ =	shalt  }
0x78: {  	_ =	shalt  }
0x79: {  	_ =	shalt  }
0x7a: {  	_ =	shalt  }
0x7b: {  	_ =	shalt  }
0x7c: {  	_ =	shalt  }
0x7d: {  	_ =	shalt  }
0x7e: {  	_ =	shalt  }
0x7f: {  	_ =	shalt  }
0x80: {  	_ =	shalt  }
0x81: {  	_ =	shalt  }
0x82: {  	_ =	shalt  }
0x83: {  	_ =	shalt  }
0x84: {  	_ =	shalt  }
0x85: {  	_ =	shalt  }
0x86: {  	_ =	shalt  }
0x87: {  	_ =	shalt  }
.Lfunc_end0:
.L_simem_size_0:
called_computation_lowered:
.L_overlay_start_0:
0x88: {  	s2 =	sld [smem:$0x3FD9]  }
0x89: {  	s3 =	sld [smem:$0x3FFE];
	_ =	sdelay $0x1  }
0x8a: {  	s1 =	srdreg.scid  }
0x8b: {  	s0 =	sand.u32 $0x1, s1  }
0x8c: {  	s17 =	sshll.u32 s0, $0xA;
	s2 =	sadd.s32 s3, s2  }
0x8d: {  	s2 =	sadd.s32 s2, s17  }
0x8e: {  	[smem:$0x3FC6] =	sst s2  }
0x8f: {  	_ = 	snop  }
0x90: {  	s2 =	sld [smem:$0x3FC9]  }
0x91: {  	s18 =	sld [smem:$0x3FD0];
	(tm) =	ssettm $0x1  }
0x92: {  	s4 =	sld [smem:$0x3FFB];
	_ =	sdelay $0x3  }
0x93: {  	_ =	strace s4  }
0x94: {  	s4 =	sld [smem:$0x3FFC];
	_ =	sdelay $0x3  }
0x95: {  	_ =	strace s4  }
0x96: {  	s4 =	sld [smem:$0x3FFD];
	_ =	sdelay $0x3  }
0x97: {  	_ =	strace s4  }
0x98: {  	_ =	strace $0x8FFFFFFF  }
0x99: {  	s19 =	sld [smem:$0x3FDB];
	_ =	sdelay $0x1  }
0x9a: {  	s5 =	simm.s32 $_scs_section_size  }
0x9b: {  	s6 =	simm.s32 $_size__tile_overlayer_lowered;
	s7 =	simm.s32 $_tile_overlayer_lowered  }
0x9c: {  	s22 =	simm.s32 $0x1BFF;
	s21 =	sshll.u32 s7, $0x1;
	s4 =	sadd.s32 s5, s19  }
0x9d: {  	s8 =	simm.s32 $0x0;
	s20 =	sshll.u32 s6, $0x1;
	s6 =	sadd.s32 s21, s4  }
0x9e: {  	[timem:s8], [sflag:s22] =	dma.local [hbm:s6], s20  }
0x9f: {  	_ =	swait.ge [sflag:s22], s20  }
0xa0: {  	s5 =	ssub.s32 $0x0, s20;
	[sflag:s22] =	ssyncset.done $0x0  }
0xa1: {  	[sflag:s22] =	ssyncadd.s32 s5;
	_ =	sdelay $0x1  }
0xa2: {  	s23 =	simm.s32 $0x1B8B  }
0xa3: {  	_ =	swait.ge [sflag:s23], $0x1  }
0xa4: {  	[sflag:s23] =	ssyncset.done $0x0  }
0xa5: {  	s25 =	simm.s32 $0x1B8E;
	s24 =	sld [smem:$0x3FFE];
	[sflag:s23] =	ssyncadd.s32 $0xFFFFFFFF  }
0xa6: {  	s26 =	simm.s32 $execute0_lowered;
	[smem:$0x3FD2] =	sst s25  }
0xa7: {  	s6 =	sshll.u32 s26, $0x1;
	_ =	strace $0x80000046;
	[dreg:$0x1] =	wrdreg $0xFFFFFFFF  }
0xa8: {  	s28 =	simm.s32 $_size_execute0_lowered;
	s4 =	sadd.s32 s4, s6;
	[dreg:$0x0] =	wrdreg $0x0  }
0xa9: {  	s6 =	sshll.u32 s28, $0x1;
	[dreg:$0x2] =	wrdreg s4  }
0xaa: {  	[dreg:$0x3] =	wrdreg s6  }
0xab: {  	[dreg:$0x4] =	wrdreg $0xC0  }
0xac: {  	_ =	task [dreg:s8], $0x5FFFF  }
0xad: {  	[dreg:$0x1] =	wrdreg $0xFFFFFFFF  }
0xae: {  	[dreg:$0x0] =	wrdreg $0x60  }
0xaf: {  	[dreg:$0x2] =	wrdreg s2  }
0xb0: {  	[dreg:$0x3] =	wrdreg s24  }
0xb1: {  	[dreg:$0x4] =	wrdreg s18  }
0xb2: {  	[dreg:$0x5] =	wrdreg $0x9  }
0xb3: {  	_ =	task.clear_ibuf [dreg:s8], $0x6FFFF;
	_ =	strace $0x90000046  }
0xb4: {  	s29 =	simm.s32 $0x9;
	_ =	strace $0x80000048  }
0xb5: {  	_ =	swait.ge [sflag:s29], $0x1  }
0xb6: {  	[sflag:s29] =	ssyncadd.s32 $0xFFFFFFFF  }
0xb7: {  	_ =	strace $0x90000048  }
0xb8: {  	_ =	sfence  }
0xb9: {  	s30 =	sld [smem:$0x0];
	_ =	sdelay $0x2  }
0xba: {  	s31 =	sshll.u32 s1, $0xD;
	s1 =	sshrl.u32 s1, $0x2  }
0xbb: {  	s3 =	sand.u32 $0x4000, s31;
	s1 =	sadd.s32 s1, s30  }
0xbc: {  	s0 =	sor.u32 s3, s0;
	s1 =	sshll.u32 s1, $0x11  }
0xbd: {  	s0 =	sor.u32 s1, s0  }
0xbe: {  	s0 =	sadd.s32 $0x8F2B, s0  }
0xbf: {  	[sflag:s0] =	ssyncadd.remote.s32 $0x1  }
0xc0: {  	_ =	sfence.sel $0xFFFF  }
0xc1: {  	[dreg:$0x0] =	wrdreg $0xFFFFFFFF;
	(pc) =	sbr.abs _section_cstart, $3  }
0xc2: {  	[dreg:$0x1] =	wrdreg $0xFFFFFFFF  }
0xc3: {  	_ =	task.clear_ibuf [dreg:s8], $0x2FFFF;
	_ =	strace $0x9FFFFFFF  }
0xc4: {  	(tm) =	ssettm $0x7FFFFFFF  }
0xc5: {  	_ =	shalt  }
tec
execute0_lowered:
.L_overlay_start_1:
0x0: {  	(tag) =	ssettag $0x1  }
0x1: {  	s1 =	rddreg [dreg:$0x0]  }
0x2: {  	s0 =	rddreg [dreg:$0x1]  }
0x3: {  	s2 =	rddreg [dreg:$0x2];
	s3 =	simm.s32 $0x0;
	s4 =	srdreg.scid  }
0x4: {  	s7 =	stileid.u32;
	s28 =	simm.s32 $0x8480;
	s29 =	simm.s32 $0x10480  }
0x5: {  	s30 =	simm.s32 $0x1;
	s31 =	simm.s32 $0x4;
	[smem:$0x7FF] =	sst s3  }
0x6: {  	s4 =	sand.u32 $0x1, s4;
	s7 =	sshll.u32 s7, $0x8;
	_ =	strace $0x80000047  }
0x7: {  	s5 =	ssub.s32 $0x2, s4;
	s6 =	sshll.u32 s4, $0xC;
	s4 =	sadd.s32 $0x400, s0  }
0x8: {  	s21 =	sshrl.u32 s5, $0x1;
	s15 =	sor.u32 s7, s6;
	[dreg:$0xd] =	wrdreg s4  }
0x9: {  	s0 =	ssub.s32 s5, s21;
	s16 =	sor.u32 $0x20, s15;
	s18 =	sor.u32 $0x40, s15  }
0xa: {  	s12 =	sor.u32 $0x60, s15;
	s11 =	sor.u32 $0x80, s15;
	s10 =	sor.u32 $0xA0, s15  }
0xb: {  	s7 =	sor.u32 $0xC0, s15;
	s13 =	sshll.u32 s15, $0x7;
	s5 =	sor.u32 $0x90, s15  }
0xc: {  	s9 =	sor.u32 $0xE0, s15;
	s22 =	sadd.s32 s2, s13;
	[dreg:$0x15] =	wrdreg s5  }
0xd: {  	s14 =	sshll.u32 s16, $0x7;
	s13 =	sadd.s32 s1, s13;
	[dreg:$0xc] =	wrdreg s22  }
0xe: {  	v18 =	vlaneseq.u32;
	s17 =	sshll.u32 s18, $0x7;
	s19 =	sshll.u32 s12, $0x7;
	[dreg:$0x4] =	wrdreg s13  }
0xf: {  	s20 =	sshll.u32 s11, $0x7;
	v4 =	vor.u32 s18, v18;
	s23 =	sadd.s32 s2, s14;
	s18 =	rddreg [dreg:$0x15]  }
0x10: {  	s21 =	sshll.u32 s10, $0x7;
	s24 =	sadd.s32 s2, s17;
	[dreg:$0xe] =	wrdreg s23  }
0x11: {  	s5 =	sor.u32 $0xF0, s15;
	s25 =	sadd.s32 s2, s21;
	[dreg:$0xf] =	wrdreg s24  }
0x12: {  	v2 =	vor.u32 s16, v18;
	s16 =	simm.s32 $0x12480;
	s14 =	sadd.s32 s1, s14;
	[dreg:$0x10] =	wrdreg s25  }
0x13: {  	s6 =	sadd.s32 s2, s19;
	s17 =	sadd.s32 s1, s17;
	[dreg:$0x5] =	wrdreg s14  }
0x14: {  	s8 =	sadd.s32 s2, s20;
	s19 =	sadd.s32 s1, s19;
	[dreg:$0x6] =	wrdreg s17  }
0x15: {  	s22 =	sshll.u32 s7, $0x7;
	s20 =	sadd.s32 s1, s20;
	[dreg:$0x7] =	wrdreg s19  }
0x16: {  	s13 =	sor.u32 $0xB0, s15;
	s23 =	sshll.u32 s9, $0x7;
	[dreg:$0x8] =	wrdreg s20  }
0x17: {  	s26 =	sadd.s32 s2, s22;
	s24 =	sadd.s32 s1, s21;
	[dreg:$0x14] =	wrdreg s13  }
0x18: {  	s25 =	sadd.s32 s1, s22;
	s21 =	smax.u32 s0, $0x1;
	[dreg:$0x11] =	wrdreg s26  }
0x19: {  	s17 =	sor.u32 $0x10, s15;
	s19 =	sor.u32 $0x30, s15;
	[dreg:$0x9] =	wrdreg s24  }
0x1a: {  	s20 =	sor.u32 $0x50, s15;
	s14 =	sor.u32 $0xD0, s15;
	[dreg:$0xa] =	wrdreg s25  }
0x1b: {  	s22 =	sadd.s32 $0x100, s1;
	s0 =	simm.s32 $0x2;
	[dreg:$0x13] =	wrdreg s14  }
0x1c: {  	s13 =	simm.s32 $0x3;
	s2 =	sadd.s32 s2, s23;
	v3 =	vor.u32 s19, v18;
	s19 =	rddreg [dreg:$0x14]  }
0x1d: {  	vm0 =	vmmov $0xffff;
	v17 =	vshrl.u32 v18, $0x3;
	v9 =	vor.u32 s18, v18;
	s18 =	simm.s32 $0x13480;
	s26 =	sadd.s32 s1, s23;
	[dreg:$0x12] =	wrdreg s2  }
.Ltmp0:
0x1e: {  	v16 =	vand.u32 $0x7, v18;
	v17 =	vmul.u32 $0x8, v17;
	v0 =	vor.u32 s15, v18;
	s23 =	sadd.s32 $0x200, s1;
	[dreg:$0xb] =	wrdreg s26;
	(pc) =	sbr.rel .LBB2_1-.Ltmp0, $4  }
0x1f: {  	v6 =	vor.u32 s12, v18;
	v8 =	vor.u32 s11, v18;
	s24 =	sadd.s32 $0x300, s1;
	v5 =	vor.u32 s20, v18;
	s2 =	sor.u32 $0x70, s15;
	s20 =	rddreg [dreg:$0x13]  }
0x20: {  	v10 =	vor.u32 s10, v18;
	v12 =	vor.u32 s7, v18;
	v14 =	vor.u32 s9, v18;
	s25 =	simm.s32 $0x7;
	s14 =	simm.s32 $0x6;
	[dreg:$0x16] =	wrdreg s2  }
0x21: {  	v15 =	vor.u32 s5, v18;
	v1 =	vor.u32 s17, v18;
	s26 =	simm.s32 $0x480;
	v11 =	vor.u32 s19, v18;
	s19 =	simm.s32 $0x13C80;
	s17 =	rddreg [dreg:$0x16]  }
0x22: {  	s2 =	simm.s32 $0x5;
	v13 =	vor.u32 s20, v18;
	s20 =	simm.s32 $0x14480;
	v7 =	vor.u32 s17, v18;
	v18 =	vor.u32 $0x8, v18;
	s17 =	simm.s32 $0x12C80  }
.LBB2_3:
0x23: {  	vm1 =	vlt.s32 v1, v19  }
0x24: {  	vm2 =	vlt.s32 v0, v19;
	v20 =	vsel vm1, v1, v19  }
0x25: {  	vm1 =	vlt.s32 v2, v19;
	v21 =	vsel vm2, v0, v19;
	[tilespmem:$0x90] =	vst v20  }
0x26: {  	v20 =	vsel vm1, v2, v19;
	vm1 =	vlt.s32 v3, v19;
	[tilespmem:$0x80] =	vst v21  }
0x27: {  	[tilespmem:$0x100] =	vst v20;
	v20 =	vsel vm1, v3, v19;
	vm1 =	vlt.s32 v4, v19  }
0x28: {  	[tilespmem:$0x110] =	vst v20;
	v20 =	vsel vm1, v4, v19;
	vm1 =	vlt.s32 v5, v19  }
0x29: {  	[tilespmem:$0x180] =	vst v20;
	v20 =	vsel vm1, v5, v19;
	vm1 =	vlt.s32 v6, v19  }
0x2a: {  	v22 =	vshll.u32 v21, $0x3;
	[tilespmem:$0x190] =	vst v20;
	v20 =	vsel vm1, v6, v19;
	vm1 =	vlt.s32 v7, v19  }
0x2b: {  	v21 =	vand.u32 $0x7, v21;
	[tilespmem:$0x200] =	vst v20;
	v20 =	vsel vm1, v7, v19;
	vm1 =	vlt.s32 v8, v19  }
0x2c: {  	v22 =	vand.u32 $0xFFFFFFC0, v22;
	[tilespmem:$0x210] =	vst v20;
	v20 =	vsel vm1, v8, v19;
	vm1 =	vlt.s32 v9, v19  }
0x2d: {  	v21 =	vor.u32 v21, v22;
	[tilespmem:$0x280] =	vst v20;
	v20 =	vsel vm1, v9, v19;
	vm1 =	vlt.s32 v10, v19  }
0x2e: {  	v22 =	vperm.xlane v21, v16;
	[tilespmem:$0x290] =	vst v20;
	v20 =	vsel vm1, v10, v19;
	vm1 =	vlt.s32 v11, v19  }
0x2f: {  	[tilespmem:$0x300] =	vst v20;
	v20 =	vsel vm1, v11, v19;
	vm1 =	vlt.s32 v12, v19  }
0x30: {  	v22 =	vadd.s32 v17, v22;
	[tilespmem:$0x310] =	vst v20;
	v20 =	vsel vm1, v12, v19;
	vm1 =	vlt.s32 v13, v19  }
0x31: {  	[tilespmem:$0x380] =	vst v20;
	v20 =	vsel vm1, v13, v19;
	vm1 =	vlt.s32 v14, v19  }
0x32: {  	[tilespmem:$0x390] =	vst v20;
	v20 =	vsel vm1, v14, v19;
	vm1 =	vlt.s32 v15, v19  }
0x33: {  	[tilespmem:$0x400] =	vst v20;
	v19 =	vsel vm1, v15, v19  }
0x34: {  	[tilespmem:$0x410] =	vst v19  }
0x35: {  	[tilespmem:s26], [sflag:$0x1] =	stream.indirect_vreg.gather [hbm4b:s1+s3], $0x80, v22, vm0, $0xb8;
	[tilespmem:$0x18480] =	vst v63  }
0x36: {  	s5 =	simm.s32 $0xC80;
	v19 =	vperm.xlane v21, v18  }
0x37: {  	[tilespmem:s5], [sflag:$0x1] =	stream.indirect_vreg.gather [hbm4b:s22+s3], $0x80, v22, vm0, $0xb8;
	[tilespmem:$0x18480] =	vst v63  }
0x38: {  	s12 =	simm.s32 $0x1480;
	v19 =	vadd.s32 v17, v19  }
0x39: {  	[tilespmem:s12], [sflag:$0x1] =	stream.indirect_vreg.gather [hbm4b:s23+s3], $0x80, v22, vm0, $0xb8;
	[tilespmem:$0x18480] =	vst v63  }
0x3a: {  	s15 =	simm.s32 $0x1C80  }
0x3b: {  	[tilespmem:s15], [sflag:$0x1] =	stream.indirect_vreg.gather [hbm4b:s24+s3], $0x80, v22, vm0, $0xb8;
	[tilespmem:$0x18480] =	vst v63  }
0x3c: {  	s25 =	simm.s32 $0x2480  }
0x3d: {  	[tilespmem:s25], [sflag:$0x1] =	stream.indirect_vreg.gather [hbm4b:s1+s3], $0x80, v19, vm0, $0xb8;
	[tilespmem:$0x18480] =	vst v63  }
0x3e: {  	s4 =	simm.s32 $0x2C80  }
0x3f: {  	[tilespmem:s4], [sflag:$0x1] =	stream.indirect_vreg.gather [hbm4b:s22+s3], $0x80, v19, vm0, $0xb8;
	[tilespmem:$0x18480] =	vst v63  }
0x40: {  	s7 =	simm.s32 $0x3480  }
0x41: {  	[tilespmem:s7], [sflag:$0x1] =	stream.indirect_vreg.gather [hbm4b:s23+s3], $0x80, v19, vm0, $0xb8;
	[tilespmem:$0x18480] =	vst v63  }
0x42: {  	s4 =	simm.s32 $0x3C80  }
0x43: {  	[tilespmem:s4], [sflag:$0x1] =	stream.indirect_vreg.gather [hbm4b:s24+s3], $0x80, v19, vm0, $0xb8;
	[tilespmem:$0x18480] =	vst v63  }
0x44: {  	v19 =	vld [tilespmem:$0x90];
	_ =	sdelay $0x4  }
0x45: {  	v20 =	vshll.u32 v19, $0x3  }
0x46: {  	v19 =	vand.u32 $0x7, v19;
	v20 =	vand.u32 $0xFFFFFFC0, v20  }
0x47: {  	v19 =	vor.u32 v19, v20  }
0x48: {  	v20 =	vperm.xlane v19, v16;
	_ =	sdelay $0x1  }
0x49: {  	v20 =	vadd.s32 v17, v20;
	_ =	sdelay $0x3  }
0x4a: {  	s9 =	simm.s32 $0x4480  }
0x4b: {  	[tilespmem:s9], [sflag:$0x1] =	stream.indirect_vreg.gather [hbm4b:s1+s3], $0x80, v20, vm0, $0xb8;
	[tilespmem:$0x18480] =	vst v63  }
0x4c: {  	s10 =	simm.s32 $0x4C80;
	v19 =	vperm.xlane v19, v18  }
0x4d: {  	[tilespmem:s10], [sflag:$0x1] =	stream.indirect_vreg.gather [hbm4b:s22+s3], $0x80, v20, vm0, $0xb8;
	[tilespmem:$0x18480] =	vst v63  }
0x4e: {  	s15 =	simm.s32 $0x5480;
	v19 =	vadd.s32 v17, v19  }
0x4f: {  	[tilespmem:s15], [sflag:$0x1] =	stream.indirect_vreg.gather [hbm4b:s23+s3], $0x80, v20, vm0, $0xb8;
	[tilespmem:$0x18480] =	vst v63  }
0x50: {  	s25 =	simm.s32 $0x5C80  }
0x51: {  	[tilespmem:s25], [sflag:$0x1] =	stream.indirect_vreg.gather [hbm4b:s24+s3], $0x80, v20, vm0, $0xb8;
	[tilespmem:$0x18480] =	vst v63  }
0x52: {  	s5 =	simm.s32 $0x6480  }
0x53: {  	[tilespmem:s5], [sflag:$0x1] =	stream.indirect_vreg.gather [hbm4b:s1+s3], $0x80, v19, vm0, $0xb8;
	[tilespmem:$0x18480] =	vst v63  }
0x54: {  	s9 =	simm.s32 $0x6C80  }
0x55: {  	[tilespmem:s9], [sflag:$0x1] =	stream.indirect_vreg.gather [hbm4b:s22+s3], $0x80, v19, vm0, $0xb8;
	[tilespmem:$0x18480] =	vst v63  }
0x56: {  	s10 =	simm.s32 $0x7480  }
0x57: {  	[tilespmem:s10], [sflag:$0x1] =	stream.indirect_vreg.gather [hbm4b:s23+s3], $0x80, v19, vm0, $0xb8;
	[tilespmem:$0x18480] =	vst v63  }
0x58: {  	s15 =	simm.s32 $0x7C80  }
0x59: {  	[tilespmem:s15], [sflag:$0x1] =	stream.indirect_vreg.gather [hbm4b:s24+s3], $0x80, v19, vm0, $0xb8;
	[tilespmem:$0x18480] =	vst v63  }
0x5a: {  	v19 =	vld [tilespmem:$0x100];
	_ =	sdelay $0x4  }
0x5b: {  	v20 =	vshll.u32 v19, $0x3  }
0x5c: {  	v19 =	vand.u32 $0x7, v19;
	v20 =	vand.u32 $0xFFFFFFC0, v20  }
0x5d: {  	v19 =	vor.u32 v19, v20  }
0x5e: {  	v20 =	vperm.xlane v19, v16;
	_ =	sdelay $0x1  }
0x5f: {  	v20 =	vadd.s32 v17, v20;
	_ =	sdelay $0x4  }
0x60: {  	[tilespmem:s28], [sflag:$0x2] =	stream.indirect_vreg.gather [hbm4b:s1+s3], $0x80, v20, vm0, $0xb8;
	[tilespmem:$0x18480] =	vst v63  }
0x61: {  	s25 =	simm.s32 $0x8C80;
	v19 =	vperm.xlane v19, v18  }
0x62: {  	[tilespmem:s25], [sflag:$0x2] =	stream.indirect_vreg.gather [hbm4b:s22+s3], $0x80, v20, vm0, $0xb8;
	[tilespmem:$0x18480] =	vst v63  }
0x63: {  	s5 =	simm.s32 $0x9480;
	v19 =	vadd.s32 v17, v19  }
0x64: {  	[tilespmem:s5], [sflag:$0x2] =	stream.indirect_vreg.gather [hbm4b:s23+s3], $0x80, v20, vm0, $0xb8;
	[tilespmem:$0x18480] =	vst v63  }
0x65: {  	s9 =	simm.s32 $0x9C80  }
0x66: {  	[tilespmem:s9], [sflag:$0x2] =	stream.indirect_vreg.gather [hbm4b:s24+s3], $0x80, v20, vm0, $0xb8;
	[tilespmem:$0x18480] =	vst v63  }
0x67: {  	s10 =	simm.s32 $0xA480  }
0x68: {  	[tilespmem:s10], [sflag:$0x2] =	stream.indirect_vreg.gather [hbm4b:s1+s3], $0x80, v19, vm0, $0xb8;
	[tilespmem:$0x18480] =	vst v63  }
0x69: {  	s15 =	simm.s32 $0xAC80  }
0x6a: {  	[tilespmem:s15], [sflag:$0x2] =	stream.indirect_vreg.gather [hbm4b:s22+s3], $0x80, v19, vm0, $0xb8;
	[tilespmem:$0x18480] =	vst v63  }
0x6b: {  	s25 =	simm.s32 $0xB480  }
0x6c: {  	[tilespmem:s25], [sflag:$0x2] =	stream.indirect_vreg.gather [hbm4b:s23+s3], $0x80, v19, vm0, $0xb8;
	[tilespmem:$0x18480] =	vst v63  }
0x6d: {  	s5 =	simm.s32 $0xBC80  }
0x6e: {  	[tilespmem:s5], [sflag:$0x2] =	stream.indirect_vreg.gather [hbm4b:s24+s3], $0x80, v19, vm0, $0xb8;
	[tilespmem:$0x18480] =	vst v63  }
0x6f: {  	v19 =	vld [tilespmem:$0x110];
	_ =	sdelay $0x4  }
0x70: {  	v20 =	vshll.u32 v19, $0x3  }
0x71: {  	v19 =	vand.u32 $0x7, v19;
	v20 =	vand.u32 $0xFFFFFFC0, v20  }
0x72: {  	v19 =	vor.u32 v19, v20  }
0x73: {  	v20 =	vperm.xlane v19, v16;
	_ =	sdelay $0x1  }
0x74: {  	v20 =	vadd.s32 v17, v20;
	_ =	sdelay $0x3  }
0x75: {  	s9 =	simm.s32 $0xC480  }
0x76: {  	[tilespmem:s9], [sflag:$0x2] =	stream.indirect_vreg.gather [hbm4b:s1+s3], $0x80, v20, vm0, $0xb8;
	[tilespmem:$0x18480] =	vst v63  }
0x77: {  	s10 =	simm.s32 $0xCC80;
	v19 =	vperm.xlane v19, v18  }
0x78: {  	[tilespmem:s10], [sflag:$0x2] =	stream.indirect_vreg.gather [hbm4b:s22+s3], $0x80, v20, vm0, $0xb8;
	[tilespmem:$0x18480] =	vst v63  }
0x79: {  	s15 =	simm.s32 $0xD480;
	v19 =	vadd.s32 v17, v19  }
0x7a: {  	[tilespmem:s15], [sflag:$0x2] =	stream.indirect_vreg.gather [hbm4b:s23+s3], $0x80, v20, vm0, $0xb8;
	[tilespmem:$0x18480] =	vst v63  }
0x7b: {  	s25 =	simm.s32 $0xDC80  }
0x7c: {  	[tilespmem:s25], [sflag:$0x2] =	stream.indirect_vreg.gather [hbm4b:s24+s3], $0x80, v20, vm0, $0xb8;
	[tilespmem:$0x18480] =	vst v63  }
0x7d: {  	s5 =	simm.s32 $0xE480  }
0x7e: {  	[tilespmem:s5], [sflag:$0x2] =	stream.indirect_vreg.gather [hbm4b:s1+s3], $0x80, v19, vm0, $0xb8;
	[tilespmem:$0x18480] =	vst v63  }
0x7f: {  	s9 =	simm.s32 $0xEC80  }
0x80: {  	[tilespmem:s9], [sflag:$0x2] =	stream.indirect_vreg.gather [hbm4b:s22+s3], $0x80, v19, vm0, $0xb8;
	[tilespmem:$0x18480] =	vst v63  }
0x81: {  	s10 =	simm.s32 $0xF480  }
0x82: {  	[tilespmem:s10], [sflag:$0x2] =	stream.indirect_vreg.gather [hbm4b:s23+s3], $0x80, v19, vm0, $0xb8;
	[tilespmem:$0x18480] =	vst v63  }
0x83: {  	s15 =	simm.s32 $0xFC80  }
0x84: {  	[tilespmem:s15], [sflag:$0x2] =	stream.indirect_vreg.gather [hbm4b:s24+s3], $0x80, v19, vm0, $0xb8;
	[tilespmem:$0x18480] =	vst v63  }
0x85: {  	v19 =	vld [tilespmem:$0x180];
	_ =	sdelay $0x4  }
0x86: {  	v20 =	vshll.u32 v19, $0x3  }
0x87: {  	v19 =	vand.u32 $0x7, v19;
	v20 =	vand.u32 $0xFFFFFFC0, v20  }
0x88: {  	v19 =	vor.u32 v19, v20  }
0x89: {  	v20 =	vperm.xlane v19, v16;
	_ =	sdelay $0x1  }
0x8a: {  	v20 =	vadd.s32 v17, v20;
	_ =	sdelay $0x3  }
0x8b: {  	s25 =	simm.s32 $0x10480  }
0x8c: {  	[tilespmem:s25], [sflag:$0x3] =	stream.indirect_vreg.gather [hbm4b:s1+s3], $0x80, v20, vm0, $0xb8;
	[tilespmem:$0x18480] =	vst v63  }
0x8d: {  	s5 =	simm.s32 $0x10C80;
	v19 =	vperm.xlane v19, v18  }
0x8e: {  	[tilespmem:s5], [sflag:$0x3] =	stream.indirect_vreg.gather [hbm4b:s22+s3], $0x80, v20, vm0, $0xb8;
	[tilespmem:$0x18480] =	vst v63  }
0x8f: {  	s9 =	simm.s32 $0x11480;
	v19 =	vadd.s32 v17, v19  }
0x90: {  	[tilespmem:s9], [sflag:$0x3] =	stream.indirect_vreg.gather [hbm4b:s23+s3], $0x80, v20, vm0, $0xb8;
	[tilespmem:$0x18480] =	vst v63  }
0x91: {  	s15 =	simm.s32 $0x11C80  }
0x92: {  	[tilespmem:s15], [sflag:$0x3] =	stream.indirect_vreg.gather [hbm4b:s24+s3], $0x80, v20, vm0, $0xb8;
	[tilespmem:$0x18480] =	vst v63  }
0x93: {  	_ = 	snop  }
0x94: {  	[tilespmem:s16], [sflag:$0x3] =	stream.indirect_vreg.gather [hbm4b:s1+s3], $0x80, v19, vm0, $0xb8;
	[tilespmem:$0x18480] =	vst v63  }
0x95: {  	_ = 	snop  }
0x96: {  	[tilespmem:s17], [sflag:$0x3] =	stream.indirect_vreg.gather [hbm4b:s22+s3], $0x80, v19, vm0, $0xb8;
	[tilespmem:$0x18480] =	vst v63  }
0x97: {  	_ = 	snop  }
0x98: {  	[tilespmem:s18], [sflag:$0x3] =	stream.indirect_vreg.gather [hbm4b:s23+s3], $0x80, v19, vm0, $0xb8;
	[tilespmem:$0x18480] =	vst v63  }
0x99: {  	_ = 	snop  }
0x9a: {  	[tilespmem:s19], [sflag:$0x3] =	stream.indirect_vreg.gather [hbm4b:s24+s3], $0x80, v19, vm0, $0xb8;
	[tilespmem:$0x18480] =	vst v63  }
0x9b: {  	v19 =	vld [tilespmem:$0x190];
	_ =	sdelay $0x4  }
0x9c: {  	v20 =	vshll.u32 v19, $0x3  }
0x9d: {  	v19 =	vand.u32 $0x7, v19;
	v20 =	vand.u32 $0xFFFFFFC0, v20  }
0x9e: {  	v19 =	vor.u32 v19, v20  }
0x9f: {  	v20 =	vperm.xlane v19, v16;
	_ =	sdelay $0x1  }
0xa0: {  	v20 =	vadd.s32 v17, v20;
	_ =	sdelay $0x4  }
0xa1: {  	[tilespmem:s20], [sflag:$0x3] =	stream.indirect_vreg.gather [hbm4b:s1+s3], $0x80, v20, vm0, $0xb8;
	[tilespmem:$0x18480] =	vst v63  }
0xa2: {  	s29 =	simm.s32 $0x14C80;
	v19 =	vperm.xlane v19, v18  }
0xa3: {  	[tilespmem:s29], [sflag:$0x3] =	stream.indirect_vreg.gather [hbm4b:s22+s3], $0x80, v20, vm0, $0xb8;
	[tilespmem:$0x18480] =	vst v63  }
0xa4: {  	s10 =	simm.s32 $0x15480;
	v19 =	vadd.s32 v17, v19  }
0xa5: {  	[tilespmem:s10], [sflag:$0x3] =	stream.indirect_vreg.gather [hbm4b:s23+s3], $0x80, v20, vm0, $0xb8;
	[tilespmem:$0x18480] =	vst v63  }
0xa6: {  	s25 =	simm.s32 $0x15C80  }
0xa7: {  	[tilespmem:s25], [sflag:$0x3] =	stream.indirect_vreg.gather [hbm4b:s24+s3], $0x80, v20, vm0, $0xb8;
	[tilespmem:$0x18480] =	vst v63  }
0xa8: {  	s5 =	simm.s32 $0x16480  }
0xa9: {  	[tilespmem:s5], [sflag:$0x3] =	stream.indirect_vreg.gather [hbm4b:s1+s3], $0x80, v19, vm0, $0xb8;
	[tilespmem:$0x18480] =	vst v63  }
0xaa: {  	s9 =	simm.s32 $0x16C80  }
0xab: {  	[tilespmem:s9], [sflag:$0x3] =	stream.indirect_vreg.gather [hbm4b:s22+s3], $0x80, v19, vm0, $0xb8;
	[tilespmem:$0x18480] =	vst v63  }
0xac: {  	s10 =	simm.s32 $0x17480  }
0xad: {  	[tilespmem:s10], [sflag:$0x3] =	stream.indirect_vreg.gather [hbm4b:s23+s3], $0x80, v19, vm0, $0xb8;
	[tilespmem:$0x18480] =	vst v63  }
0xae: {  	s25 =	simm.s32 $0x17C80  }
0xaf: {  	[tilespmem:s25], [sflag:$0x3] =	stream.indirect_vreg.gather [hbm4b:s24+s3], $0x80, v19, vm0, $0xb8;
	[tilespmem:$0x18480] =	vst v63  }
0xb0: {  	_ =	swait.ge [sflag:s30], $0x8000  }
0xb1: {  	[sflag:s30] =	ssyncset.done $0x0;
	s4 =	rddreg [dreg:$0xc]  }
0xb2: {  	s9 =	smov.u32 s6;
	s6 =	rddreg [dreg:$0xe];
	[sflag:s30] =	ssyncadd.s32 $0xFFFF8000  }
0xb3: {  	[hbm4b:s4+s3] =	stream.linear.scatter [tilespmem:s26], [sflag:$0x4], $0x8000, $0x38;
	[tilespmem:$0x18480] =	vst v63  }
0xb4: {  	s10 =	smov.u32 s8;
	s8 =	rddreg [dreg:$0xf];
	_ =	swait.ge [sflag:s31], $0x8000  }
0xb5: {  	[sflag:s31] =	ssyncset.done $0x0  }
0xb6: {  	[sflag:s31] =	ssyncadd.s32 $0xFFFF8000  }
0xb7: {  	v19 =	vld [tilespmem:$0x200];
	_ =	sdelay $0x4  }
0xb8: {  	v20 =	vshll.u32 v19, $0x3  }
0xb9: {  	v19 =	vand.u32 $0x7, v19;
	v20 =	vand.u32 $0xFFFFFFC0, v20  }
0xba: {  	v19 =	vor.u32 v19, v20  }
0xbb: {  	v20 =	vperm.xlane v19, v16;
	_ =	sdelay $0x1  }
0xbc: {  	v20 =	vadd.s32 v17, v20;
	_ =	sdelay $0x4  }
0xbd: {  	[tilespmem:s26], [sflag:$0x1] =	stream.indirect_vreg.gather [hbm4b:s1+s3], $0x80, v20, vm0, $0xb8;
	[tilespmem:$0x18480] =	vst v63  }
0xbe: {  	s5 =	simm.s32 $0xC80;
	v19 =	vperm.xlane v19, v18  }
0xbf: {  	[tilespmem:s5], [sflag:$0x1] =	stream.indirect_vreg.gather [hbm4b:s22+s3], $0x80, v20, vm0, $0xb8;
	[tilespmem:$0x18480] =	vst v63  }
0xc0: {  	v19 =	vadd.s32 v17, v19;
	s5 =	simm.s32 $0x1480  }
0xc1: {  	[tilespmem:s5], [sflag:$0x1] =	stream.indirect_vreg.gather [hbm4b:s23+s3], $0x80, v20, vm0, $0xb8;
	[tilespmem:$0x18480] =	vst v63  }
0xc2: {  	s4 =	simm.s32 $0x1C80  }
0xc3: {  	[tilespmem:s4], [sflag:$0x1] =	stream.indirect_vreg.gather [hbm4b:s24+s3], $0x80, v20, vm0, $0xb8;
	[tilespmem:$0x18480] =	vst v63  }
0xc4: {  	s5 =	simm.s32 $0x2480  }
0xc5: {  	[tilespmem:s5], [sflag:$0x1] =	stream.indirect_vreg.gather [hbm4b:s1+s3], $0x80, v19, vm0, $0xb8;
	[tilespmem:$0x18480] =	vst v63  }
0xc6: {  	s5 =	simm.s32 $0x2C80  }
0xc7: {  	[tilespmem:s5], [sflag:$0x1] =	stream.indirect_vreg.gather [hbm4b:s22+s3], $0x80, v19, vm0, $0xb8;
	[tilespmem:$0x18480] =	vst v63  }
0xc8: {  	s11 =	simm.s32 $0x3480  }
0xc9: {  	[tilespmem:s11], [sflag:$0x1] =	stream.indirect_vreg.gather [hbm4b:s23+s3], $0x80, v19, vm0, $0xb8;
	[tilespmem:$0x18480] =	vst v63  }
0xca: {  	s7 =	simm.s32 $0x3C80  }
0xcb: {  	[tilespmem:s7], [sflag:$0x1] =	stream.indirect_vreg.gather [hbm4b:s24+s3], $0x80, v19, vm0, $0xb8;
	[tilespmem:$0x18480] =	vst v63  }
0xcc: {  	v19 =	vld [tilespmem:$0x210];
	_ =	sdelay $0x4  }
0xcd: {  	v20 =	vshll.u32 v19, $0x3  }
0xce: {  	v19 =	vand.u32 $0x7, v19;
	v20 =	vand.u32 $0xFFFFFFC0, v20  }
0xcf: {  	v19 =	vor.u32 v19, v20  }
0xd0: {  	v20 =	vperm.xlane v19, v16;
	_ =	sdelay $0x1  }
0xd1: {  	v20 =	vadd.s32 v17, v20;
	_ =	sdelay $0x3  }
0xd2: {  	s12 =	simm.s32 $0x4480  }
0xd3: {  	[tilespmem:s12], [sflag:$0x1] =	stream.indirect_vreg.gather [hbm4b:s1+s3], $0x80, v20, vm0, $0xb8;
	[tilespmem:$0x18480] =	vst v63  }
0xd4: {  	v19 =	vperm.xlane v19, v18;
	s12 =	simm.s32 $0x4C80  }
0xd5: {  	[tilespmem:s12], [sflag:$0x1] =	stream.indirect_vreg.gather [hbm4b:s22+s3], $0x80, v20, vm0, $0xb8;
	[tilespmem:$0x18480] =	vst v63  }
0xd6: {  	s11 =	simm.s32 $0x5480;
	v19 =	vadd.s32 v17, v19  }
0xd7: {  	[tilespmem:s11], [sflag:$0x1] =	stream.indirect_vreg.gather [hbm4b:s23+s3], $0x80, v20, vm0, $0xb8;
	[tilespmem:$0x18480] =	vst v63  }
0xd8: {  	s7 =	simm.s32 $0x5C80  }
0xd9: {  	[tilespmem:s7], [sflag:$0x1] =	stream.indirect_vreg.gather [hbm4b:s24+s3], $0x80, v20, vm0, $0xb8;
	[tilespmem:$0x18480] =	vst v63  }
0xda: {  	s12 =	simm.s32 $0x6480  }
0xdb: {  	[tilespmem:s12], [sflag:$0x1] =	stream.indirect_vreg.gather [hbm4b:s1+s3], $0x80, v19, vm0, $0xb8;
	[tilespmem:$0x18480] =	vst v63  }
0xdc: {  	s11 =	simm.s32 $0x6C80  }
0xdd: {  	[tilespmem:s11], [sflag:$0x1] =	stream.indirect_vreg.gather [hbm4b:s22+s3], $0x80, v19, vm0, $0xb8;
	[tilespmem:$0x18480] =	vst v63  }
0xde: {  	s12 =	simm.s32 $0x7480  }
0xdf: {  	[tilespmem:s12], [sflag:$0x1] =	stream.indirect_vreg.gather [hbm4b:s23+s3], $0x80, v19, vm0, $0xb8;
	[tilespmem:$0x18480] =	vst v63  }
0xe0: {  	s12 =	simm.s32 $0x7C80  }
0xe1: {  	[tilespmem:s12], [sflag:$0x1] =	stream.indirect_vreg.gather [hbm4b:s24+s3], $0x80, v19, vm0, $0xb8;
	[tilespmem:$0x18480] =	vst v63  }
0xe2: {  	_ =	swait.ge [sflag:s0], $0x8000  }
0xe3: {  	[sflag:s0] =	ssyncset.done $0x0  }
0xe4: {  	[sflag:s0] =	ssyncadd.s32 $0xFFFF8000  }
0xe5: {  	[hbm4b:s6+s3] =	stream.linear.scatter [tilespmem:s28], [sflag:$0x5], $0x8000, $0x38;
	[tilespmem:$0x18480] =	vst v63  }
0xe6: {  	_ =	swait.ge [sflag:s2], $0x8000  }
0xe7: {  	[sflag:s2] =	ssyncset.done $0x0  }
0xe8: {  	[sflag:s2] =	ssyncadd.s32 $0xFFFF8000  }
0xe9: {  	v19 =	vld [tilespmem:$0x280];
	_ =	sdelay $0x4  }
0xea: {  	v20 =	vshll.u32 v19, $0x3  }
0xeb: {  	v19 =	vand.u32 $0x7, v19;
	v20 =	vand.u32 $0xFFFFFFC0, v20  }
0xec: {  	v19 =	vor.u32 v19, v20  }
0xed: {  	v20 =	vperm.xlane v19, v16;
	_ =	sdelay $0x1  }
0xee: {  	v20 =	vadd.s32 v17, v20;
	_ =	sdelay $0x4  }
0xef: {  	[tilespmem:s28], [sflag:$0x2] =	stream.indirect_vreg.gather [hbm4b:s1+s3], $0x80, v20, vm0, $0xb8;
	[tilespmem:$0x18480] =	vst v63  }
0xf0: {  	s6 =	simm.s32 $0x8C80;
	v19 =	vperm.xlane v19, v18  }
0xf1: {  	[tilespmem:s6], [sflag:$0x2] =	stream.indirect_vreg.gather [hbm4b:s22+s3], $0x80, v20, vm0, $0xb8;
	[tilespmem:$0x18480] =	vst v63  }
0xf2: {  	v19 =	vadd.s32 v17, v19;
	s6 =	simm.s32 $0x9480  }
0xf3: {  	[tilespmem:s6], [sflag:$0x2] =	stream.indirect_vreg.gather [hbm4b:s23+s3], $0x80, v20, vm0, $0xb8;
	[tilespmem:$0x18480] =	vst v63  }
0xf4: {  	s6 =	simm.s32 $0x9C80  }
0xf5: {  	[tilespmem:s6], [sflag:$0x2] =	stream.indirect_vreg.gather [hbm4b:s24+s3], $0x80, v20, vm0, $0xb8;
	[tilespmem:$0x18480] =	vst v63  }
0xf6: {  	s6 =	simm.s32 $0xA480  }
0xf7: {  	[tilespmem:s6], [sflag:$0x2] =	stream.indirect_vreg.gather [hbm4b:s1+s3], $0x80, v19, vm0, $0xb8;
	[tilespmem:$0x18480] =	vst v63  }
0xf8: {  	s6 =	simm.s32 $0xAC80  }
0xf9: {  	[tilespmem:s6], [sflag:$0x2] =	stream.indirect_vreg.gather [hbm4b:s22+s3], $0x80, v19, vm0, $0xb8;
	[tilespmem:$0x18480] =	vst v63  }
0xfa: {  	s6 =	simm.s32 $0xB480  }
0xfb: {  	[tilespmem:s6], [sflag:$0x2] =	stream.indirect_vreg.gather [hbm4b:s23+s3], $0x80, v19, vm0, $0xb8;
	[tilespmem:$0x18480] =	vst v63  }
0xfc: {  	s6 =	simm.s32 $0xBC80  }
0xfd: {  	[tilespmem:s6], [sflag:$0x2] =	stream.indirect_vreg.gather [hbm4b:s24+s3], $0x80, v19, vm0, $0xb8;
	[tilespmem:$0x18480] =	vst v63  }
0xfe: {  	v19 =	vld [tilespmem:$0x290];
	_ =	sdelay $0x4  }
0xff: {  	v20 =	vshll.u32 v19, $0x3  }
0x100: {  	v19 =	vand.u32 $0x7, v19;
	v20 =	vand.u32 $0xFFFFFFC0, v20  }
0x101: {  	v19 =	vor.u32 v19, v20  }
0x102: {  	v20 =	vperm.xlane v19, v16;
	_ =	sdelay $0x1  }
0x103: {  	v20 =	vadd.s32 v17, v20;
	_ =	sdelay $0x3  }
0x104: {  	s6 =	simm.s32 $0xC480  }
0x105: {  	[tilespmem:s6], [sflag:$0x2] =	stream.indirect_vreg.gather [hbm4b:s1+s3], $0x80, v20, vm0, $0xb8;
	[tilespmem:$0x18480] =	vst v63  }
0x106: {  	v19 =	vperm.xlane v19, v18;
	s6 =	simm.s32 $0xCC80  }
0x107: {  	[tilespmem:s6], [sflag:$0x2] =	stream.indirect_vreg.gather [hbm4b:s22+s3], $0x80, v20, vm0, $0xb8;
	[tilespmem:$0x18480] =	vst v63  }
0x108: {  	v19 =	vadd.s32 v17, v19;
	s6 =	simm.s32 $0xD480  }
0x109: {  	[tilespmem:s6], [sflag:$0x2] =	stream.indirect_vreg.gather [hbm4b:s23+s3], $0x80, v20, vm0, $0xb8;
	[tilespmem:$0x18480] =	vst v63  }
0x10a: {  	s6 =	simm.s32 $0xDC80  }
0x10b: {  	[tilespmem:s6], [sflag:$0x2] =	stream.indirect_vreg.gather [hbm4b:s24+s3], $0x80, v20, vm0, $0xb8;
	[tilespmem:$0x18480] =	vst v63  }
0x10c: {  	s6 =	simm.s32 $0xE480  }
0x10d: {  	[tilespmem:s6], [sflag:$0x2] =	stream.indirect_vreg.gather [hbm4b:s1+s3], $0x80, v19, vm0, $0xb8;
	[tilespmem:$0x18480] =	vst v63  }
0x10e: {  	s6 =	simm.s32 $0xEC80  }
0x10f: {  	[tilespmem:s6], [sflag:$0x2] =	stream.indirect_vreg.gather [hbm4b:s22+s3], $0x80, v19, vm0, $0xb8;
	[tilespmem:$0x18480] =	vst v63  }
0x110: {  	s6 =	simm.s32 $0xF480  }
0x111: {  	[tilespmem:s6], [sflag:$0x2] =	stream.indirect_vreg.gather [hbm4b:s23+s3], $0x80, v19, vm0, $0xb8;
	[tilespmem:$0x18480] =	vst v63  }
0x112: {  	s6 =	simm.s32 $0xFC80  }
0x113: {  	[tilespmem:s6], [sflag:$0x2] =	stream.indirect_vreg.gather [hbm4b:s24+s3], $0x80, v19, vm0, $0xb8;
	[tilespmem:$0x18480] =	vst v63  }
0x114: {  	_ =	swait.ge [sflag:s13], $0x8000  }
0x115: {  	[sflag:s13] =	ssyncset.done $0x0  }
0x116: {  	s6 =	simm.s32 $0x10480;
	[sflag:s13] =	ssyncadd.s32 $0xFFFF8000  }
0x117: {  	[hbm4b:s8+s3] =	stream.linear.scatter [tilespmem:s6], [sflag:$0x6], $0x8000, $0x38;
	[tilespmem:$0x18480] =	vst v63  }
0x118: {  	_ =	swait.ge [sflag:s14], $0x8000  }
0x119: {  	[sflag:s14] =	ssyncset.done $0x0  }
0x11a: {  	[sflag:s14] =	ssyncadd.s32 $0xFFFF8000  }
0x11b: {  	v19 =	vld [tilespmem:$0x300];
	_ =	sdelay $0x4  }
0x11c: {  	v20 =	vshll.u32 v19, $0x3  }
0x11d: {  	v19 =	vand.u32 $0x7, v19;
	v20 =	vand.u32 $0xFFFFFFC0, v20  }
0x11e: {  	v19 =	vor.u32 v19, v20  }
0x11f: {  	v20 =	vperm.xlane v19, v16;
	_ =	sdelay $0x1  }
0x120: {  	v20 =	vadd.s32 v17, v20;
	_ =	sdelay $0x3  }
0x121: {  	s8 =	simm.s32 $0x10480  }
0x122: {  	[tilespmem:s8], [sflag:$0x3] =	stream.indirect_vreg.gather [hbm4b:s1+s3], $0x80, v20, vm0, $0xb8;
	[tilespmem:$0x18480] =	vst v63  }
0x123: {  	v19 =	vperm.xlane v19, v18;
	s8 =	simm.s32 $0x10C80  }
0x124: {  	[tilespmem:s8], [sflag:$0x3] =	stream.indirect_vreg.gather [hbm4b:s22+s3], $0x80, v20, vm0, $0xb8;
	[tilespmem:$0x18480] =	vst v63  }
0x125: {  	v19 =	vadd.s32 v17, v19;
	s8 =	simm.s32 $0x11480  }
0x126: {  	[tilespmem:s8], [sflag:$0x3] =	stream.indirect_vreg.gather [hbm4b:s23+s3], $0x80, v20, vm0, $0xb8;
	[tilespmem:$0x18480] =	vst v63  }
0x127: {  	_ = 	snop  }
0x128: {  	[tilespmem:s15], [sflag:$0x3] =	stream.indirect_vreg.gather [hbm4b:s24+s3], $0x80, v20, vm0, $0xb8;
	[tilespmem:$0x18480] =	vst v63  }
0x129: {  	_ = 	snop  }
0x12a: {  	[tilespmem:s16], [sflag:$0x3] =	stream.indirect_vreg.gather [hbm4b:s1+s3], $0x80, v19, vm0, $0xb8;
	[tilespmem:$0x18480] =	vst v63  }
0x12b: {  	_ = 	snop  }
0x12c: {  	[tilespmem:s17], [sflag:$0x3] =	stream.indirect_vreg.gather [hbm4b:s22+s3], $0x80, v19, vm0, $0xb8;
	[tilespmem:$0x18480] =	vst v63  }
0x12d: {  	_ = 	snop  }
0x12e: {  	[tilespmem:s18], [sflag:$0x3] =	stream.indirect_vreg.gather [hbm4b:s23+s3], $0x80, v19, vm0, $0xb8;
	[tilespmem:$0x18480] =	vst v63  }
0x12f: {  	_ = 	snop  }
0x130: {  	[tilespmem:s19], [sflag:$0x3] =	stream.indirect_vreg.gather [hbm4b:s24+s3], $0x80, v19, vm0, $0xb8;
	[tilespmem:$0x18480] =	vst v63  }
0x131: {  	v19 =	vld [tilespmem:$0x310];
	_ =	sdelay $0x4  }
0x132: {  	v20 =	vshll.u32 v19, $0x3  }
0x133: {  	v19 =	vand.u32 $0x7, v19;
	v20 =	vand.u32 $0xFFFFFFC0, v20  }
0x134: {  	v19 =	vor.u32 v19, v20  }
0x135: {  	v20 =	vperm.xlane v19, v16;
	_ =	sdelay $0x1  }
0x136: {  	v20 =	vadd.s32 v17, v20;
	_ =	sdelay $0x4  }
0x137: {  	[tilespmem:s20], [sflag:$0x3] =	stream.indirect_vreg.gather [hbm4b:s1+s3], $0x80, v20, vm0, $0xb8;
	[tilespmem:$0x18480] =	vst v63  }
0x138: {  	v19 =	vperm.xlane v19, v18  }
0x139: {  	[tilespmem:s29], [sflag:$0x3] =	stream.indirect_vreg.gather [hbm4b:s22+s3], $0x80, v20, vm0, $0xb8;
	[tilespmem:$0x18480] =	vst v63  }
0x13a: {  	s15 =	simm.s32 $0x15480;
	v19 =	vadd.s32 v17, v19  }
0x13b: {  	[tilespmem:s15], [sflag:$0x3] =	stream.indirect_vreg.gather [hbm4b:s23+s3], $0x80, v20, vm0, $0xb8;
	[tilespmem:$0x18480] =	vst v63  }
0x13c: {  	s8 =	simm.s32 $0x15C80  }
0x13d: {  	[tilespmem:s8], [sflag:$0x3] =	stream.indirect_vreg.gather [hbm4b:s24+s3], $0x80, v20, vm0, $0xb8;
	[tilespmem:$0x18480] =	vst v63  }
0x13e: {  	s15 =	simm.s32 $0x16480  }
0x13f: {  	[tilespmem:s15], [sflag:$0x3] =	stream.indirect_vreg.gather [hbm4b:s1+s3], $0x80, v19, vm0, $0xb8;
	[tilespmem:$0x18480] =	vst v63  }
0x140: {  	s8 =	simm.s32 $0x16C80  }
0x141: {  	[tilespmem:s8], [sflag:$0x3] =	stream.indirect_vreg.gather [hbm4b:s22+s3], $0x80, v19, vm0, $0xb8;
	[tilespmem:$0x18480] =	vst v63  }
0x142: {  	s15 =	simm.s32 $0x17480  }
0x143: {  	[tilespmem:s15], [sflag:$0x3] =	stream.indirect_vreg.gather [hbm4b:s23+s3], $0x80, v19, vm0, $0xb8;
	[tilespmem:$0x18480] =	vst v63  }
0x144: {  	s8 =	simm.s32 $0x17C80  }
0x145: {  	[tilespmem:s8], [sflag:$0x3] =	stream.indirect_vreg.gather [hbm4b:s24+s3], $0x80, v19, vm0, $0xb8;
	[tilespmem:$0x18480] =	vst v63  }
0x146: {  	_ =	swait.ge [sflag:s30], $0x8000  }
0x147: {  	[sflag:s30] =	ssyncset.done $0x0  }
0x148: {  	[sflag:s30] =	ssyncadd.s32 $0xFFFF8000  }
0x149: {  	[hbm4b:s9+s3] =	stream.linear.scatter [tilespmem:s26], [sflag:$0x4], $0x8000, $0x38;
	[tilespmem:$0x18480] =	vst v63  }
0x14a: {  	_ =	swait.ge [sflag:s31], $0x8000  }
0x14b: {  	[sflag:s31] =	ssyncset.done $0x0  }
0x14c: {  	[sflag:s31] =	ssyncadd.s32 $0xFFFF8000  }
0x14d: {  	v19 =	vld [tilespmem:$0x380];
	_ =	sdelay $0x4  }
0x14e: {  	v20 =	vshll.u32 v19, $0x3  }
0x14f: {  	v19 =	vand.u32 $0x7, v19;
	v20 =	vand.u32 $0xFFFFFFC0, v20  }
0x150: {  	v19 =	vor.u32 v19, v20  }
0x151: {  	v20 =	vperm.xlane v19, v16;
	_ =	sdelay $0x1  }
0x152: {  	v20 =	vadd.s32 v17, v20;
	_ =	sdelay $0x4  }
0x153: {  	[tilespmem:s26], [sflag:$0x1] =	stream.indirect_vreg.gather [hbm4b:s1+s3], $0x80, v20, vm0, $0xb8;
	[tilespmem:$0x18480] =	vst v63  }
0x154: {  	s6 =	smov.u32 s9;
	s9 =	simm.s32 $0xC80;
	v19 =	vperm.xlane v19, v18  }
0x155: {  	[tilespmem:s9], [sflag:$0x1] =	stream.indirect_vreg.gather [hbm4b:s22+s3], $0x80, v20, vm0, $0xb8;
	[tilespmem:$0x18480] =	vst v63  }
0x156: {  	s15 =	simm.s32 $0x1480;
	v19 =	vadd.s32 v17, v19  }
0x157: {  	[tilespmem:s15], [sflag:$0x1] =	stream.indirect_vreg.gather [hbm4b:s23+s3], $0x80, v20, vm0, $0xb8;
	[tilespmem:$0x18480] =	vst v63  }
0x158: {  	_ = 	snop  }
0x159: {  	[tilespmem:s4], [sflag:$0x1] =	stream.indirect_vreg.gather [hbm4b:s24+s3], $0x80, v20, vm0, $0xb8;
	[tilespmem:$0x18480] =	vst v63  }
0x15a: {  	s9 =	simm.s32 $0x2480  }
0x15b: {  	[tilespmem:s9], [sflag:$0x1] =	stream.indirect_vreg.gather [hbm4b:s1+s3], $0x80, v19, vm0, $0xb8;
	[tilespmem:$0x18480] =	vst v63  }
0x15c: {  	_ = 	snop  }
0x15d: {  	[tilespmem:s5], [sflag:$0x1] =	stream.indirect_vreg.gather [hbm4b:s22+s3], $0x80, v19, vm0, $0xb8;
	[tilespmem:$0x18480] =	vst v63  }
0x15e: {  	s15 =	simm.s32 $0x3480  }
0x15f: {  	[tilespmem:s15], [sflag:$0x1] =	stream.indirect_vreg.gather [hbm4b:s23+s3], $0x80, v19, vm0, $0xb8;
	[tilespmem:$0x18480] =	vst v63  }
0x160: {  	s5 =	simm.s32 $0x3C80  }
0x161: {  	[tilespmem:s5], [sflag:$0x1] =	stream.indirect_vreg.gather [hbm4b:s24+s3], $0x80, v19, vm0, $0xb8;
	[tilespmem:$0x18480] =	vst v63  }
0x162: {  	v19 =	vld [tilespmem:$0x390];
	_ =	sdelay $0x4  }
0x163: {  	v20 =	vshll.u32 v19, $0x3  }
0x164: {  	v19 =	vand.u32 $0x7, v19;
	v20 =	vand.u32 $0xFFFFFFC0, v20  }
0x165: {  	v19 =	vor.u32 v19, v20  }
0x166: {  	v20 =	vperm.xlane v19, v16;
	_ =	sdelay $0x1  }
0x167: {  	v20 =	vadd.s32 v17, v20;
	_ =	sdelay $0x3  }
0x168: {  	s8 =	simm.s32 $0x4480  }
0x169: {  	[tilespmem:s8], [sflag:$0x1] =	stream.indirect_vreg.gather [hbm4b:s1+s3], $0x80, v20, vm0, $0xb8;
	[tilespmem:$0x18480] =	vst v63  }
0x16a: {  	s9 =	simm.s32 $0x4C80;
	v19 =	vperm.xlane v19, v18  }
0x16b: {  	[tilespmem:s9], [sflag:$0x1] =	stream.indirect_vreg.gather [hbm4b:s22+s3], $0x80, v20, vm0, $0xb8;
	[tilespmem:$0x18480] =	vst v63  }
0x16c: {  	s15 =	simm.s32 $0x5480;
	v19 =	vadd.s32 v17, v19  }
0x16d: {  	[tilespmem:s15], [sflag:$0x1] =	stream.indirect_vreg.gather [hbm4b:s23+s3], $0x80, v20, vm0, $0xb8;
	[tilespmem:$0x18480] =	vst v63  }
0x16e: {  	_ = 	snop  }
0x16f: {  	[tilespmem:s7], [sflag:$0x1] =	stream.indirect_vreg.gather [hbm4b:s24+s3], $0x80, v20, vm0, $0xb8;
	[tilespmem:$0x18480] =	vst v63  }
0x170: {  	s8 =	simm.s32 $0x6480  }
0x171: {  	[tilespmem:s8], [sflag:$0x1] =	stream.indirect_vreg.gather [hbm4b:s1+s3], $0x80, v19, vm0, $0xb8;
	[tilespmem:$0x18480] =	vst v63  }
0x172: {  	_ = 	snop  }
0x173: {  	[tilespmem:s11], [sflag:$0x1] =	stream.indirect_vreg.gather [hbm4b:s22+s3], $0x80, v19, vm0, $0xb8;
	[tilespmem:$0x18480] =	vst v63  }
0x174: {  	s9 =	simm.s32 $0x7480  }
0x175: {  	[tilespmem:s9], [sflag:$0x1] =	stream.indirect_vreg.gather [hbm4b:s23+s3], $0x80, v19, vm0, $0xb8;
	[tilespmem:$0x18480] =	vst v63  }
0x176: {  	_ = 	snop  }
0x177: {  	[tilespmem:s12], [sflag:$0x1] =	stream.indirect_vreg.gather [hbm4b:s24+s3], $0x80, v19, vm0, $0xb8;
	[tilespmem:$0x18480] =	vst v63  }
0x178: {  	s4 =	rddreg [dreg:$0xd];
	_ =	swait.ge [sflag:s0], $0x8000  }
0x179: {  	[sflag:s0] =	ssyncset.done $0x0  }
0x17a: {  	[sflag:s0] =	ssyncadd.s32 $0xFFFF8000  }
0x17b: {  	[hbm4b:s10+s3] =	stream.linear.scatter [tilespmem:s28], [sflag:$0x5], $0x8000, $0x38;
	[tilespmem:$0x18480] =	vst v63  }
0x17c: {  	_ =	swait.ge [sflag:s2], $0x8000  }
0x17d: {  	[sflag:s2] =	ssyncset.done $0x0  }
0x17e: {  	[sflag:s2] =	ssyncadd.s32 $0xFFFF8000  }
0x17f: {  	v19 =	vld [tilespmem:$0x400];
	_ =	sdelay $0x4  }
0x180: {  	v20 =	vshll.u32 v19, $0x3  }
0x181: {  	v19 =	vand.u32 $0x7, v19;
	v20 =	vand.u32 $0xFFFFFFC0, v20  }
0x182: {  	v19 =	vor.u32 v19, v20  }
0x183: {  	v20 =	vperm.xlane v19, v16;
	_ =	sdelay $0x1  }
0x184: {  	v20 =	vadd.s32 v17, v20;
	_ =	sdelay $0x4  }
0x185: {  	[tilespmem:s28], [sflag:$0x2] =	stream.indirect_vreg.gather [hbm4b:s1+s3], $0x80, v20, vm0, $0xb8;
	[tilespmem:$0x18480] =	vst v63  }
0x186: {  	s11 =	simm.s32 $0x8C80;
	v19 =	vperm.xlane v19, v18  }
0x187: {  	[tilespmem:s11], [sflag:$0x2] =	stream.indirect_vreg.gather [hbm4b:s22+s3], $0x80, v20, vm0, $0xb8;
	[tilespmem:$0x18480] =	vst v63  }
0x188: {  	s12 =	simm.s32 $0x9480;
	v19 =	vadd.s32 v17, v19  }
0x189: {  	[tilespmem:s12], [sflag:$0x2] =	stream.indirect_vreg.gather [hbm4b:s23+s3], $0x80, v20, vm0, $0xb8;
	[tilespmem:$0x18480] =	vst v63  }
0x18a: {  	s15 =	simm.s32 $0x9C80  }
0x18b: {  	[tilespmem:s15], [sflag:$0x2] =	stream.indirect_vreg.gather [hbm4b:s24+s3], $0x80, v20, vm0, $0xb8;
	[tilespmem:$0x18480] =	vst v63  }
0x18c: {  	s7 =	simm.s32 $0xA480  }
0x18d: {  	[tilespmem:s7], [sflag:$0x2] =	stream.indirect_vreg.gather [hbm4b:s1+s3], $0x80, v19, vm0, $0xb8;
	[tilespmem:$0x18480] =	vst v63  }
0x18e: {  	s9 =	simm.s32 $0xAC80  }
0x18f: {  	[tilespmem:s9], [sflag:$0x2] =	stream.indirect_vreg.gather [hbm4b:s22+s3], $0x80, v19, vm0, $0xb8;
	[tilespmem:$0x18480] =	vst v63  }
0x190: {  	s8 =	smov.u32 s10;
	s10 =	simm.s32 $0xB480  }
0x191: {  	[tilespmem:s10], [sflag:$0x2] =	stream.indirect_vreg.gather [hbm4b:s23+s3], $0x80, v19, vm0, $0xb8;
	[tilespmem:$0x18480] =	vst v63  }
0x192: {  	s11 =	simm.s32 $0xBC80  }
0x193: {  	[tilespmem:s11], [sflag:$0x2] =	stream.indirect_vreg.gather [hbm4b:s24+s3], $0x80, v19, vm0, $0xb8;
	[tilespmem:$0x18480] =	vst v63  }
0x194: {  	v19 =	vld [tilespmem:$0x410];
	_ =	sdelay $0x4  }
0x195: {  	v20 =	vshll.u32 v19, $0x3  }
0x196: {  	v19 =	vand.u32 $0x7, v19;
	v20 =	vand.u32 $0xFFFFFFC0, v20  }
0x197: {  	v19 =	vor.u32 v19, v20  }
0x198: {  	v20 =	vperm.xlane v19, v16;
	_ =	sdelay $0x1  }
0x199: {  	v20 =	vadd.s32 v17, v20;
	_ =	sdelay $0x3  }
0x19a: {  	s12 =	simm.s32 $0xC480  }
0x19b: {  	[tilespmem:s12], [sflag:$0x2] =	stream.indirect_vreg.gather [hbm4b:s1+s3], $0x80, v20, vm0, $0xb8;
	[tilespmem:$0x18480] =	vst v63  }
0x19c: {  	s15 =	simm.s32 $0xCC80;
	v19 =	vperm.xlane v19, v18  }
0x19d: {  	[tilespmem:s15], [sflag:$0x2] =	stream.indirect_vreg.gather [hbm4b:s22+s3], $0x80, v20, vm0, $0xb8;
	[tilespmem:$0x18480] =	vst v63  }
0x19e: {  	s7 =	simm.s32 $0xD480;
	v19 =	vadd.s32 v17, v19  }
0x19f: {  	[tilespmem:s7], [sflag:$0x2] =	stream.indirect_vreg.gather [hbm4b:s23+s3], $0x80, v20, vm0, $0xb8;
	[tilespmem:$0x18480] =	vst v63  }
0x1a0: {  	s9 =	simm.s32 $0xDC80  }
0x1a1: {  	[tilespmem:s9], [sflag:$0x2] =	stream.indirect_vreg.gather [hbm4b:s24+s3], $0x80, v20, vm0, $0xb8;
	[tilespmem:$0x18480] =	vst v63  }
0x1a2: {  	s10 =	simm.s32 $0xE480  }
0x1a3: {  	[tilespmem:s10], [sflag:$0x2] =	stream.indirect_vreg.gather [hbm4b:s1+s3], $0x80, v19, vm0, $0xb8;
	[tilespmem:$0x18480] =	vst v63  }
0x1a4: {  	s11 =	simm.s32 $0xEC80  }
0x1a5: {  	[tilespmem:s11], [sflag:$0x2] =	stream.indirect_vreg.gather [hbm4b:s22+s3], $0x80, v19, vm0, $0xb8;
	[tilespmem:$0x18480] =	vst v63  }
0x1a6: {  	s12 =	simm.s32 $0xF480  }
0x1a7: {  	[tilespmem:s12], [sflag:$0x2] =	stream.indirect_vreg.gather [hbm4b:s23+s3], $0x80, v19, vm0, $0xb8;
	[tilespmem:$0x18480] =	vst v63  }
0x1a8: {  	s25 =	simm.s32 $0x7;
	s29 =	simm.s32 $0x10480;
	s15 =	simm.s32 $0xFC80  }
0x1a9: {  	[tilespmem:s15], [sflag:$0x2] =	stream.indirect_vreg.gather [hbm4b:s24+s3], $0x80, v19, vm0, $0xb8;
	[tilespmem:$0x18480] =	vst v63  }
.LBB2_4:
0x1aa: {  	_ =	swait.ge [sflag:s13], $0x8000  }
0x1ab: {  	[sflag:s13] =	ssyncset.done $0x0  }
0x1ac: {  	s5 =	rddreg [dreg:$0x10];
	[sflag:s13] =	ssyncadd.s32 $0xFFFF8000  }
0x1ad: {  	[hbm4b:s5+s3] =	stream.linear.scatter [tilespmem:s29], [sflag:$0x6], $0x8000, $0x38;
	[tilespmem:$0x18480] =	vst v63  }
0x1ae: {  	_ =	swait.ge [sflag:s30], $0x8000  }
0x1af: {  	[sflag:s30] =	ssyncset.done $0x0  }
0x1b0: {  	s12 =	rddreg [dreg:$0x11];
	[sflag:s30] =	ssyncadd.s32 $0xFFFF8000  }
0x1b1: {  	[hbm4b:s12+s3] =	stream.linear.scatter [tilespmem:s26], [sflag:$0x4], $0x8000, $0x38;
	[tilespmem:$0x18480] =	vst v63  }
0x1b2: {  	_ =	swait.ge [sflag:s0], $0x8000  }
0x1b3: {  	[sflag:s0] =	ssyncset.done $0x0  }
0x1b4: {  	s15 =	rddreg [dreg:$0x12];
	[sflag:s0] =	ssyncadd.s32 $0xFFFF8000  }
0x1b5: {  	[hbm4b:s15+s3] =	stream.linear.scatter [tilespmem:s28], [sflag:$0x5], $0x8000, $0x38;
	[tilespmem:$0x18480] =	vst v63  }
0x1b6: {  	_ =	swait.ge [sflag:s31], $0x8000  }
0x1b7: {  	[sflag:s31] =	ssyncset.done $0x0  }
0x1b8: {  	s21 =	sadd.s32 $0xFFFFFFFF, s21;
	[sflag:s31] =	ssyncadd.s32 $0xFFFF8000  }
0x1b9: {  	p0 =	sne.s32 s21, $0x0;
	_ =	swait.ge [sflag:s2], $0x8000  }
.Ltmp1:
0x1ba: {  	[sflag:s2] =	ssyncset.done $0x0;
	(pc) =	sbr.rel @!p0 .LBB2_5-.Ltmp1, $4  }
0x1bb: {  	[sflag:s2] =	ssyncadd.s32 $0xFFFF8000  }
0x1bc: {  	_ =	swait.ge [sflag:s14], $0x8000  }
0x1bd: {  	[sflag:s14] =	ssyncset.done $0x0  }
0x1be: {  	[sflag:s14] =	ssyncadd.s32 $0xFFFF8000  }
.LBB2_1:
0x1bf: {  	[tilespmem:s3], [sflag:$0x7] =	stream.linear.gather [hbm4b:s4+s3], $0x80, $0x38;
	[tilespmem:$0x18480] =	vst v63  }
0x1c0: {  	_ =	swait.ge [sflag:s25], $0x80  }
0x1c1: {  	[sflag:s25] =	ssyncset.done $0x0  }
0x1c2: {  	[sflag:s25] =	ssyncadd.s32 $0xFFFFFF80  }
0x1c3: {  	v19 =	vld [tilespmem:$0x0];
	_ =	sdelay $0x4  }
0x1c4: {  	v20 =	vxor.u32 $0x80000000, v19  }
0x1c5: {  	(xrf0) =	vmax.scan.msk.u32 $0xffff, v20;
	_ =	sdelay $0x5  }
0x1c6: {  	v20, _, _ =	vpop (xrf0)  }
0x1c7: {  	(v2sf) =	vpush v20, $0xF;
	_ =	sdelay $0xe  }
0x1c8: {  	s15 =	spop (v2sf)  }
0x1c9: {  	p0 =	slt.u32 s15, $0x80001FFF  }
.Ltmp2:
0x1ca: {  	_ = 	snop;
	(pc) =	sbr.rel @p0 .LBB2_3-.Ltmp2, $1  }
0x1cb: {  	_ =	sdelay $0x3  }
0x1cc: {  	s15 =	rddreg [dreg:$0x4]  }
0x1cd: {  	[tilespmem:s26], [sflag:$0x1] =	stream.linear.gather [hbm4b:s15+s3], $0x8000, $0x38;
	[tilespmem:$0x18480] =	vst v63  }
0x1ce: {  	s10 =	rddreg [dreg:$0x5]  }
0x1cf: {  	[tilespmem:s28], [sflag:$0x2] =	stream.linear.gather [hbm4b:s10+s3], $0x8000, $0x38;
	[tilespmem:$0x18480] =	vst v63  }
0x1d0: {  	s11 =	rddreg [dreg:$0x6]  }
0x1d1: {  	[tilespmem:s29], [sflag:$0x3] =	stream.linear.gather [hbm4b:s11+s3], $0x8000, $0x38;
	[tilespmem:$0x18480] =	vst v63  }
0x1d2: {  	_ =	swait.ge [sflag:s30], $0x8000  }
0x1d3: {  	[sflag:s30] =	ssyncset.done $0x0  }
0x1d4: {  	s5 =	rddreg [dreg:$0xc];
	[sflag:s30] =	ssyncadd.s32 $0xFFFF8000  }
0x1d5: {  	[hbm4b:s5+s3] =	stream.linear.scatter [tilespmem:s26], [sflag:$0x4], $0x8000, $0x38;
	[tilespmem:$0x18480] =	vst v63  }
0x1d6: {  	_ =	swait.ge [sflag:s31], $0x8000  }
0x1d7: {  	[sflag:s31] =	ssyncset.done $0x0  }
0x1d8: {  	s12 =	rddreg [dreg:$0x7];
	[sflag:s31] =	ssyncadd.s32 $0xFFFF8000  }
0x1d9: {  	[tilespmem:s26], [sflag:$0x1] =	stream.linear.gather [hbm4b:s12+s3], $0x8000, $0x38;
	[tilespmem:$0x18480] =	vst v63  }
0x1da: {  	_ =	swait.ge [sflag:s0], $0x8000  }
0x1db: {  	[sflag:s0] =	ssyncset.done $0x0  }
0x1dc: {  	s15 =	rddreg [dreg:$0xe];
	[sflag:s0] =	ssyncadd.s32 $0xFFFF8000  }
0x1dd: {  	[hbm4b:s15+s3] =	stream.linear.scatter [tilespmem:s28], [sflag:$0x5], $0x8000, $0x38;
	[tilespmem:$0x18480] =	vst v63  }
0x1de: {  	_ =	swait.ge [sflag:s2], $0x8000  }
0x1df: {  	[sflag:s2] =	ssyncset.done $0x0  }
0x1e0: {  	s7 =	rddreg [dreg:$0x8];
	[sflag:s2] =	ssyncadd.s32 $0xFFFF8000  }
0x1e1: {  	[tilespmem:s28], [sflag:$0x2] =	stream.linear.gather [hbm4b:s7+s3], $0x8000, $0x38;
	[tilespmem:$0x18480] =	vst v63  }
0x1e2: {  	_ =	swait.ge [sflag:s13], $0x8000  }
0x1e3: {  	[sflag:s13] =	ssyncset.done $0x0  }
0x1e4: {  	s9 =	rddreg [dreg:$0xf];
	[sflag:s13] =	ssyncadd.s32 $0xFFFF8000  }
0x1e5: {  	[hbm4b:s9+s3] =	stream.linear.scatter [tilespmem:s29], [sflag:$0x6], $0x8000, $0x38;
	[tilespmem:$0x18480] =	vst v63  }
0x1e6: {  	_ =	swait.ge [sflag:s14], $0x8000  }
0x1e7: {  	[sflag:s14] =	ssyncset.done $0x0  }
0x1e8: {  	s10 =	rddreg [dreg:$0x9];
	[sflag:s14] =	ssyncadd.s32 $0xFFFF8000  }
0x1e9: {  	[tilespmem:s29], [sflag:$0x3] =	stream.linear.gather [hbm4b:s10+s3], $0x8000, $0x38;
	[tilespmem:$0x18480] =	vst v63  }
0x1ea: {  	_ =	swait.ge [sflag:s30], $0x8000  }
0x1eb: {  	[sflag:s30] =	ssyncset.done $0x0  }
0x1ec: {  	[sflag:s30] =	ssyncadd.s32 $0xFFFF8000  }
0x1ed: {  	[hbm4b:s6+s3] =	stream.linear.scatter [tilespmem:s26], [sflag:$0x4], $0x8000, $0x38;
	[tilespmem:$0x18480] =	vst v63  }
0x1ee: {  	_ =	swait.ge [sflag:s31], $0x8000  }
0x1ef: {  	[sflag:s31] =	ssyncset.done $0x0  }
0x1f0: {  	s11 =	rddreg [dreg:$0xa];
	[sflag:s31] =	ssyncadd.s32 $0xFFFF8000  }
0x1f1: {  	[tilespmem:s26], [sflag:$0x1] =	stream.linear.gather [hbm4b:s11+s3], $0x8000, $0x38;
	[tilespmem:$0x18480] =	vst v63  }
0x1f2: {  	_ =	swait.ge [sflag:s0], $0x8000  }
0x1f3: {  	[sflag:s0] =	ssyncset.done $0x0  }
0x1f4: {  	[sflag:s0] =	ssyncadd.s32 $0xFFFF8000  }
0x1f5: {  	[hbm4b:s8+s3] =	stream.linear.scatter [tilespmem:s28], [sflag:$0x5], $0x8000, $0x38;
	[tilespmem:$0x18480] =	vst v63  }
.Ltmp3:
0x1f6: {  	_ = 	snop;
	(pc) =	sbr.rel .LBB2_4-.Ltmp3, $4  }
0x1f7: {  	_ =	swait.ge [sflag:s2], $0x8000  }
0x1f8: {  	[sflag:s2] =	ssyncset.done $0x0  }
0x1f9: {  	s12 =	rddreg [dreg:$0xb];
	[sflag:s2] =	ssyncadd.s32 $0xFFFF8000  }
0x1fa: {  	[tilespmem:s28], [sflag:$0x2] =	stream.linear.gather [hbm4b:s12+s3], $0x8000, $0x38;
	[tilespmem:$0x18480] =	vst v63  }
.LBB2_5:
0x1fb: {  	_ =	sfence.sel $0x180000  }
0x1fc: {  	[bflag:$0x0] =	sbarrier.arrive $0xFFFF  }
0x1fd: {  	_ =	strace $0x90000047  }
0x1fe: {  	s0 =	stileid.u32;
	[bflag:$0x2] =	sbarrier.arrive $0xFFFF  }
0x1ff: {  	p0 =	sne.s32 s0, $0x0;
	s0 =	rddreg [dreg:$0x3]  }
0x200: {  	s0 =	sadd.s32 @!p0 $0x100000, s0  }
0x201: {  	[sflag:s0] =	ssyncadd.tile.s32 @!p0 $0x1;
	_ =	shalt  }
.Lfunc_end2:
_tile_overlayer_lowered:
.L_overlay_start_2:
0x202: {  	(tag) =	ssettag $0x2  }
0x203: {  	s0 =	rddreg [dreg:$0x0];
	s2 =	stileid.u32  }
0x204: {  	s1 =	rddreg [dreg:$0x1];
	p0 =	sne.s32 s2, $0x0  }
0x205: {  	s3 =	rddreg [dreg:$0x2];
	[bflag:$0x3] =	sbarrier.arrive $0xFFFF;
	s2 =	simm.s32 @!p0 $0x1C01  }
0x206: {  	[timem:s3], [sflag:s2] =	dma.local @!p0 [hbm:s0], s1  }
0x207: {  	s0 =	simm.s32 @!p0 $0x1  }
0x208: {  	_ =	swait.ge @!p0 [sflag:s0], s1  }
0x209: {  	s1 =	ssub.s32 @!p0 $0x0, s1;
	[sflag:s0] =	ssyncset.done @!p0 $0x0  }
0x20a: {  	[sflag:s0] =	ssyncadd.s32 @!p0 s1  }
0x20b: {  	[bflag:$0x3] =	sbarrier.arrive $0xFFFF  }
0x20c: {  	_ =	shalt  }

</sc_bundles>
